<compile_context>
chip_gen: v7x
topology: tpu7x:2x2x1
jax: 0.10.2.dev20260603
libtpu: 0.0.44.dev20260713+nightly
codegen_flags: <defaults>
</compile_context>

<pallas_src>
import functools
import numpy as np
import jax
import jax.numpy as jnp
from jax import lax
from jax.experimental import pallas as pl
from jax.experimental.pallas import tpu as pltpu
from jax.experimental.pallas import tpu_sc as plsc

_C = 32
_K = _C * _C
_V = _C * (_C + 1) // 2
_G = _V // 16
_NW = 32
_CHUNK = 16
_NB = 2


def _tril_flat():
    row, col = np.tril_indices(_C)
    return (row * _C + col).astype(np.int32)


def _sc_kernel(m_total):
    per_w = m_total // _NW
    n_chunks = per_w // _CHUNK
    assert n_chunks % _NB == 0
    mesh = plsc.VectorSubcoreMesh(core_axis_name="c", subcore_axis_name="s")

    @functools.partial(
        pl.kernel,
        mesh=mesh,
        out_type=jax.ShapeDtypeStruct((m_total, _V), jnp.float32),
        compiler_params=pltpu.CompilerParams(
            needs_layout_passes=False, use_tc_tiling_on_sc=False),
        scratch_types=(
            [pltpu.VMEM((_V,), jnp.int32)]
            + [pltpu.VMEM((_CHUNK, _K), jnp.float32) for _ in range(_NB)]
            + [pltpu.VMEM((_CHUNK, _V), jnp.float32) for _ in range(_NB)]
            + [pltpu.VMEM((_CHUNK,), jnp.int32) for _ in range(2 * _NB)]
            + [pltpu.SemaphoreType.DMA for _ in range(2 * _NB)]
            + [pltpu.VMEM_SHARED((16, _CHUNK, _K), jnp.float32)
               for _ in range(_NB)]
        ),
    )
    def k(x_hbm, idx_hbm, out_hbm, idx_v, *refs):
        ins = list(refs[0:_NB])
        outs = list(refs[_NB:2 * _NB])
        mins = list(refs[2 * _NB:3 * _NB])
        mouts = list(refs[3 * _NB:4 * _NB])
        sis = list(refs[4 * _NB:5 * _NB])
        sos = list(refs[5 * _NB:6 * _NB])
        spms = list(refs[6 * _NB:7 * _NB])
        sid = lax.axis_index("s")
        wid = lax.axis_index("s") * 2 + lax.axis_index("c")
        base = wid * per_w
        pltpu.sync_copy(idx_hbm, idx_v)
        tabs = [idx_v[pl.ds(j * 16, 16)] for j in range(_G)]
        lane = lax.iota(jnp.int32, 16)

        def set_ids(ref, ci):
            start = base + ci * _CHUNK
            ref[pl.ds(0, 16)] = lane + start

        def in_hbm_slice(ci):
            return x_hbm.at[pl.ds(base + ci * _CHUNK, _CHUNK)]

        for b in range(_NB):
            pltpu.async_copy(in_hbm_slice(b), spms[b].at[sid], sis[b])

        def gloop(g, carry):
            for b in range(_NB):
                ci = g * _NB + b
                pltpu.make_async_copy(in_hbm_slice(ci), spms[b].at[sid],
                                      sis[b]).wait()
                pltpu.sync_copy(spms[b].at[sid], ins[b])

                @pl.when(g >= 1)
                def _():
                    pltpu.make_async_copy(outs[b], out_hbm.at[mouts[b]],
                                          sos[b]).wait()

                set_ids(mouts[b], ci)

                def mat_body(m, c2, b=b):
                    row = jnp.full((16,), m, jnp.int32)
                    for w in range(0, _G, 8):
                        hi = min(w + 8, _G)
                        vals = [plsc.load_gather(ins[b], [row, tabs[j]])
                                for j in range(w, hi)]
                        for i, j in enumerate(range(w, hi)):
                            outs[b][m, pl.ds(j * 16, 16)] = vals[i]
                    return c2

                lax.fori_loop(0, _CHUNK, mat_body, 0)
                pltpu.async_copy(outs[b], out_hbm.at[mouts[b]], sos[b])

                @pl.when(g < n_chunks // _NB - 1)
                def _():
                    pltpu.async_copy(in_hbm_slice(ci + _NB),
                                     spms[b].at[sid], sis[b])
            return carry

        lax.fori_loop(0, n_chunks // _NB, gloop, 0)
        for b in range(_NB):
            pltpu.make_async_copy(outs[b], out_hbm.at[mouts[b]],
                                  sos[b]).wait()

    return k


def kernel(inputs):
    T, N, B, C, C2 = inputs.shape
    M = T * N * B
    x = inputs.reshape(M, C * C2)
    idx = jnp.asarray(_tril_flat())
    out = _sc_kernel(M)(x, idx)
    return out.reshape(T, N, B, _V)

# --- scband reference (transcript-rebuilt; emitter-appended) ---
"""Pipeline reference for scband-spdvectorize-31507880084175 (READ-ONLY COPY).

The authoritative reference and input builder live on the scoring server;
editing this copy changes nothing except your own understanding.
"""

import jax, jax.numpy as jnp
import numpy as np

C = 32
_T, _N, _BANDS = 256, 32, 8

def setup_inputs(seed: int = 0) -> dict:
    key = jax.random.key(seed)
    inputs = jax.random.normal(key, (_T, _N, _BANDS, C, C), dtype=jnp.float32)
    return {"inputs": inputs}

def reference(inputs):
    # torch.tril_indices(C, C) enumerates lower-triangular indices in row-major
    # order, identical to np.tril_indices.
    row, col = np.tril_indices(C)
    row = jnp.asarray(row)
    col = jnp.asarray(col)
    vec = inputs[:, :, :, row, col]
    return vec

if __name__ == "__main__":
    import jax
    _d = setup_inputs()
    print(jax.jit(kernel)(*tuple(_d.values())))

</pallas_src>

<mosaic_0001>
#map = affine_map<(d0, d1) -> (0, 0)>
#map1 = affine_map<(d0, d1) -> (0)>
module attributes {stable_mosaic.version = 14 : i64} {
  func.func @k(%arg0: i32, %arg1: i32, %arg2: memref<65536x1024xf32, #tpu.memory_space<hbm>>, %arg3: memref<528xi32, #tpu.memory_space<hbm>>, %arg4: memref<65536x528xf32, #tpu.memory_space<hbm>>, %arg5: memref<528xi32, #tpu.memory_space<vmem>>, %arg6: memref<16x1024xf32, #tpu.memory_space<vmem>>, %arg7: memref<16x1024xf32, #tpu.memory_space<vmem>>, %arg8: memref<16x528xf32, #tpu.memory_space<vmem>>, %arg9: memref<16x528xf32, #tpu.memory_space<vmem>>, %arg10: memref<16xi32, #tpu.memory_space<vmem>>, %arg11: memref<16xi32, #tpu.memory_space<vmem>>, %arg12: memref<16xi32, #tpu.memory_space<vmem>>, %arg13: memref<16xi32, #tpu.memory_space<vmem>>, %arg14: memref<!tpu.dma_semaphore, #tpu.memory_space<semaphore_mem>>, %arg15: memref<!tpu.dma_semaphore, #tpu.memory_space<semaphore_mem>>, %arg16: memref<!tpu.dma_semaphore, #tpu.memory_space<semaphore_mem>>, %arg17: memref<!tpu.dma_semaphore, #tpu.memory_space<semaphore_mem>>, %arg18: memref<16x16x1024xf32, #tpu.memory_space<vmem_shared>>, %arg19: memref<16x16x1024xf32, #tpu.memory_space<vmem_shared>>) attributes {dimension_semantics = [#tpu.dimension_semantics<core_parallel>, #tpu.dimension_semantics<subcore_parallel>], iteration_bounds = array<i64: 2, 16>, scalar_prefetch = 0 : i64, scratch_operands = 15 : i64, tpu.core_type = #tpu.core_type<sc_vector_subcore>, window_params = [{transform_indices = #map}, {transform_indices = #map1}, {transform_indices = #map}]} {
    %mul3A = arith.constant 2 : i32
    %mul3A_0 = arith.muli %arg1, %mul3A : i32
    %add3A = arith.addi %mul3A_0, %arg0 : i32
    %mul3A_1 = arith.constant 2048 : i32
    %mul3A_2 = arith.muli %add3A, %mul3A_1 : i32
    "tpu.region"() ({
      %run_scoped3A = tpu.sem_alloc : memref<!tpu.dma_semaphore, #tpu.memory_space<semaphore_mem>>
      tpu.enqueue_dma source(%arg3 : memref<528xi32, #tpu.memory_space<hbm>>) target(%arg5 : memref<528xi32, #tpu.memory_space<vmem>>) target_semaphore(%run_scoped3A : memref<!tpu.dma_semaphore, #tpu.memory_space<semaphore_mem>>)
      tpu.wait_dma2 semaphore(%run_scoped3A : memref<!tpu.dma_semaphore, #tpu.memory_space<semaphore_mem>>) src(%arg3 : memref<528xi32, #tpu.memory_space<hbm>>) dst(%arg5 : memref<528xi32, #tpu.memory_space<vmem>>)
      tpu.yield
    }) : () -> ()
    %get3A = arith.constant 0 : index
    %get3A_3 = tpu.vector_load %arg5[%get3A] {strides = array<i32>} : memref<528xi32, #tpu.memory_space<vmem>>, vector<16xi32>,
    %get3A_4 = arith.constant 16 : index
    %get3A_5 = tpu.vector_load %arg5[%get3A_4] {strides = array<i32>} : memref<528xi32, #tpu.memory_space<vmem>>, vector<16xi32>,
    %get3A_6 = arith.constant 32 : index
    %get3A_7 = tpu.vector_load %arg5[%get3A_6] {strides = array<i32>} : memref<528xi32, #tpu.memory_space<vmem>>, vector<16xi32>,
    %get3A_8 = arith.constant 48 : index
    %get3A_9 = tpu.vector_load %arg5[%get3A_8] {strides = array<i32>} : memref<528xi32, #tpu.memory_space<vmem>>, vector<16xi32>,
    %get3A_10 = arith.constant 64 : index
    %get3A_11 = tpu.vector_load %arg5[%get3A_10] {strides = array<i32>} : memref<528xi32, #tpu.memory_space<vmem>>, vector<16xi32>,
    %get3A_12 = arith.constant 80 : index
    %get3A_13 = tpu.vector_load %arg5[%get3A_12] {strides = array<i32>} : memref<528xi32, #tpu.memory_space<vmem>>, vector<16xi32>,
    %get3A_14 = arith.constant 96 : index
    %get3A_15 = tpu.vector_load %arg5[%get3A_14] {strides = array<i32>} : memref<528xi32, #tpu.memory_space<vmem>>, vector<16xi32>,
    %get3A_16 = arith.constant 112 : index
    %get3A_17 = tpu.vector_load %arg5[%get3A_16] {strides = array<i32>} : memref<528xi32, #tpu.memory_space<vmem>>, vector<16xi32>,
    %get3A_18 = arith.constant 128 : index
    %get3A_19 = tpu.vector_load %arg5[%get3A_18] {strides = array<i32>} : memref<528xi32, #tpu.memory_space<vmem>>, vector<16xi32>,
    %get3A_20 = arith.constant 144 : index
    %get3A_21 = tpu.vector_load %arg5[%get3A_20] {strides = array<i32>} : memref<528xi32, #tpu.memory_space<vmem>>, vector<16xi32>,
    %get3A_22 = arith.constant 160 : index
    %get3A_23 = tpu.vector_load %arg5[%get3A_22] {strides = array<i32>} : memref<528xi32, #tpu.memory_space<vmem>>, vector<16xi32>,
    %get3A_24 = arith.constant 176 : index
    %get3A_25 = tpu.vector_load %arg5[%get3A_24] {strides = array<i32>} : memref<528xi32, #tpu.memory_space<vmem>>, vector<16xi32>,
    %get3A_26 = arith.constant 192 : index
    %get3A_27 = tpu.vector_load %arg5[%get3A_26] {strides = array<i32>} : memref<528xi32, #tpu.memory_space<vmem>>, vector<16xi32>,
    %get3A_28 = arith.constant 208 : index
    %get3A_29 = tpu.vector_load %arg5[%get3A_28] {strides = array<i32>} : memref<528xi32, #tpu.memory_space<vmem>>, vector<16xi32>,
    %get3A_30 = arith.constant 224 : index
    %get3A_31 = tpu.vector_load %arg5[%get3A_30] {strides = array<i32>} : memref<528xi32, #tpu.memory_space<vmem>>, vector<16xi32>,
    %get3A_32 = arith.constant 240 : index
    %get3A_33 = tpu.vector_load %arg5[%get3A_32] {strides = array<i32>} : memref<528xi32, #tpu.memory_space<vmem>>, vector<16xi32>,
    %get3A_34 = arith.constant 256 : index
    %get3A_35 = tpu.vector_load %arg5[%get3A_34] {strides = array<i32>} : memref<528xi32, #tpu.memory_space<vmem>>, vector<16xi32>,
    %get3A_36 = arith.constant 272 : index
    %get3A_37 = tpu.vector_load %arg5[%get3A_36] {strides = array<i32>} : memref<528xi32, #tpu.memory_space<vmem>>, vector<16xi32>,
    %get3A_38 = arith.constant 288 : index
    %get3A_39 = tpu.vector_load %arg5[%get3A_38] {strides = array<i32>} : memref<528xi32, #tpu.memory_space<vmem>>, vector<16xi32>,
    %get3A_40 = arith.constant 304 : index
    %get3A_41 = tpu.vector_load %arg5[%get3A_40] {strides = array<i32>} : memref<528xi32, #tpu.memory_space<vmem>>, vector<16xi32>,
    %get3A_42 = arith.constant 320 : index
    %get3A_43 = tpu.vector_load %arg5[%get3A_42] {strides = array<i32>} : memref<528xi32, #tpu.memory_space<vmem>>, vector<16xi32>,
    %get3A_44 = arith.constant 336 : index
    %get3A_45 = tpu.vector_load %arg5[%get3A_44] {strides = array<i32>} : memref<528xi32, #tpu.memory_space<vmem>>, vector<16xi32>,
    %get3A_46 = arith.constant 352 : index
    %get3A_47 = tpu.vector_load %arg5[%get3A_46] {strides = array<i32>} : memref<528xi32, #tpu.memory_space<vmem>>, vector<16xi32>,
    %get3A_48 = arith.constant 368 : index
    %get3A_49 = tpu.vector_load %arg5[%get3A_48] {strides = array<i32>} : memref<528xi32, #tpu.memory_space<vmem>>, vector<16xi32>,
    %get3A_50 = arith.constant 384 : index
    %get3A_51 = tpu.vector_load %arg5[%get3A_50] {strides = array<i32>} : memref<528xi32, #tpu.memory_space<vmem>>, vector<16xi32>,
    %get3A_52 = arith.constant 400 : index
    %get3A_53 = tpu.vector_load %arg5[%get3A_52] {strides = array<i32>} : memref<528xi32, #tpu.memory_space<vmem>>, vector<16xi32>,
    %get3A_54 = arith.constant 416 : index
    %get3A_55 = tpu.vector_load %arg5[%get3A_54] {strides = array<i32>} : memref<528xi32, #tpu.memory_space<vmem>>, vector<16xi32>,
    %get3A_56 = arith.constant 432 : index
    %get3A_57 = tpu.vector_load %arg5[%get3A_56] {strides = array<i32>} : memref<528xi32, #tpu.memory_space<vmem>>, vector<16xi32>,
    %get3A_58 = arith.constant 448 : index
    %get3A_59 = tpu.vector_load %arg5[%get3A_58] {strides = array<i32>} : memref<528xi32, #tpu.memory_space<vmem>>, vector<16xi32>,
    %get3A_60 = arith.constant 464 : index
    %get3A_61 = tpu.vector_load %arg5[%get3A_60] {strides = array<i32>} : memref<528xi32, #tpu.memory_space<vmem>>, vector<16xi32>,
    %get3A_62 = arith.constant 480 : index
    %get3A_63 = tpu.vector_load %arg5[%get3A_62] {strides = array<i32>} : memref<528xi32, #tpu.memory_space<vmem>>, vector<16xi32>,
    %get3A_64 = arith.constant 496 : index
    %get3A_65 = tpu.vector_load %arg5[%get3A_64] {strides = array<i32>} : memref<528xi32, #tpu.memory_space<vmem>>, vector<16xi32>,
    %get3A_66 = arith.constant 512 : index
    %get3A_67 = tpu.vector_load %arg5[%get3A_66] {strides = array<i32>} : memref<528xi32, #tpu.memory_space<vmem>>, vector<16xi32>,
    %iota3A = tpu.iota {dimensions = array<i32: 0>} : vector<16xi32>
    %add3A_68 = arith.constant 0 : i32
    %add3A_69 = arith.addi %mul3A_2, %add3A_68 : i32
    %dma_start3A = arith.constant 0 : i32
    %dma_start3A_70 = arith.constant 0 : i32
    %dma_start3A_71 = tpu.memref_slice %arg18[%arg1, %dma_start3A, %dma_start3A_70] : memref<16x16x1024xf32, #tpu.memory_space<vmem_shared>> -> memref<1x16x1024xf32, #tpu.memory_space<vmem_shared>>
    %dma_start3A_72 = tpu.memref_squeeze %dma_start3A_71 : memref<1x16x1024xf32, #tpu.memory_space<vmem_shared>> -> memref<16x1024xf32, #tpu.memory_space<vmem_shared>>
    %dma_start3A_73 = arith.constant 0 : i32
    %dma_start3A_74 = tpu.memref_slice %arg2[%add3A_69, %dma_start3A_73] : memref<65536x1024xf32, #tpu.memory_space<hbm>> -> memref<16x1024xf32, #tpu.memory_space<hbm>>
    tpu.enqueue_dma source(%dma_start3A_74 : memref<16x1024xf32, #tpu.memory_space<hbm>>) target(%dma_start3A_72 : memref<16x1024xf32, #tpu.memory_space<vmem_shared>>) target_semaphore(%arg14 : memref<!tpu.dma_semaphore, #tpu.memory_space<semaphore_mem>>)
    %add3A_75 = arith.constant 16 : i32
    %add3A_76 = arith.addi %mul3A_2, %add3A_75 : i32
    %dma_start3A_77 = arith.constant 0 : i32
    %dma_start3A_78 = arith.constant 0 : i32
    %dma_start3A_79 = tpu.memref_slice %arg19[%arg1, %dma_start3A_77, %dma_start3A_78] : memref<16x16x1024xf32, #tpu.memory_space<vmem_shared>> -> memref<1x16x1024xf32, #tpu.memory_space<vmem_shared>>
    %dma_start3A_80 = tpu.memref_squeeze %dma_start3A_79 : memref<1x16x1024xf32, #tpu.memory_space<vmem_shared>> -> memref<16x1024xf32, #tpu.memory_space<vmem_shared>>
    %dma_start3A_81 = arith.constant 0 : i32
    %dma_start3A_82 = tpu.memref_slice %arg2[%add3A_76, %dma_start3A_81] : memref<65536x1024xf32, #tpu.memory_space<hbm>> -> memref<16x1024xf32, #tpu.memory_space<hbm>>
    tpu.enqueue_dma source(%dma_start3A_82 : memref<16x1024xf32, #tpu.memory_space<hbm>>) target(%dma_start3A_80 : memref<16x1024xf32, #tpu.memory_space<vmem_shared>>) target_semaphore(%arg15 : memref<!tpu.dma_semaphore, #tpu.memory_space<semaphore_mem>>)
    %scan3A = arith.constant 0 : i32
    %scan3A_83 = arith.constant 0 : i32
    %scan3A_84 = arith.constant 64 : i32
    %scan3A_85 = arith.addi %scan3A_83, %scan3A_84 : i32
    %scan3A_86 = arith.constant 1 : i32
    scf.for %scan3A_93 = %scan3A_83 to %scan3A_85 step %scan3A_86  : i32 {
      %mul3A_94 = arith.constant 2 : i32
      %mul3A_95 = arith.muli %scan3A_93, %mul3A_94 : i32
      %add3A_96 = arith.constant 0 : i32
      %add3A_97 = arith.addi %mul3A_95, %add3A_96 : i32
      %mul3A_98 = arith.constant 16 : i32
      %mul3A_99 = arith.muli %add3A_97, %mul3A_98 : i32
      %add3A_100 = arith.addi %mul3A_2, %mul3A_99 : i32
      %dma_wait3A_101 = arith.constant 0 : i32
      %dma_wait3A_102 = arith.constant 0 : i32
      %dma_wait3A_103 = tpu.memref_slice %arg18[%arg1, %dma_wait3A_101, %dma_wait3A_102] : memref<16x16x1024xf32, #tpu.memory_space<vmem_shared>> -> memref<1x16x1024xf32, #tpu.memory_space<vmem_shared>>
      %dma_wait3A_104 = tpu.memref_squeeze %dma_wait3A_103 : memref<1x16x1024xf32, #tpu.memory_space<vmem_shared>> -> memref<16x1024xf32, #tpu.memory_space<vmem_shared>>
      %dma_wait3A_105 = arith.constant 0 : i32
      %dma_wait3A_106 = tpu.memref_slice %arg2[%add3A_100, %dma_wait3A_105] : memref<65536x1024xf32, #tpu.memory_space<hbm>> -> memref<16x1024xf32, #tpu.memory_space<hbm>>
      tpu.wait_dma2 semaphore(%arg14 : memref<!tpu.dma_semaphore, #tpu.memory_space<semaphore_mem>>) src(%dma_wait3A_106 : memref<16x1024xf32, #tpu.memory_space<hbm>>) dst(%dma_wait3A_104 : memref<16x1024xf32, #tpu.memory_space<vmem_shared>>)
      "tpu.region"() ({
        %run_scoped3A = tpu.sem_alloc : memref<!tpu.dma_semaphore, #tpu.memory_space<semaphore_mem>>
        %dma_start3A_167 = arith.constant 0 : i32
        %dma_start3A_168 = arith.constant 0 : i32
        %dma_start3A_169 = tpu.memref_slice %arg18[%arg1, %dma_start3A_167, %dma_start3A_168] : memref<16x16x1024xf32, #tpu.memory_space<vmem_shared>> -> memref<1x16x1024xf32, #tpu.memory_space<vmem_shared>>
        %dma_start3A_170 = tpu.memref_squeeze %dma_start3A_169 : memref<1x16x1024xf32, #tpu.memory_space<vmem_shared>> -> memref<16x1024xf32, #tpu.memory_space<vmem_shared>>
        %dma_start3A_171 = arith.constant 0 : i32
        %dma_start3A_172 = arith.constant 0 : i32
        %dma_start3A_173 = tpu.memref_slice %arg18[%arg1, %dma_start3A_171, %dma_start3A_172] : memref<16x16x1024xf32, #tpu.memory_space<vmem_shared>> -> memref<1x16x1024xf32, #tpu.memory_space<vmem_shared>>
        %dma_start3A_174 = tpu.memref_squeeze %dma_start3A_173 : memref<1x16x1024xf32, #tpu.memory_space<vmem_shared>> -> memref<16x1024xf32, #tpu.memory_space<vmem_shared>>
        tpu.enqueue_dma source(%dma_start3A_174 : memref<16x1024xf32, #tpu.memory_space<vmem_shared>>) target(%arg6 : memref<16x1024xf32, #tpu.memory_space<vmem>>) target_semaphore(%run_scoped3A : memref<!tpu.dma_semaphore, #tpu.memory_space<semaphore_mem>>)
        %dma_wait3A_175 = arith.constant 0 : i32
        %dma_wait3A_176 = arith.constant 0 : i32
        %dma_wait3A_177 = tpu.memref_slice %arg18[%arg1, %dma_wait3A_175, %dma_wait3A_176] : memref<16x16x1024xf32, #tpu.memory_space<vmem_shared>> -> memref<1x16x1024xf32, #tpu.memory_space<vmem_shared>>
        %dma_wait3A_178 = tpu.memref_squeeze %dma_wait3A_177 : memref<1x16x1024xf32, #tpu.memory_space<vmem_shared>> -> memref<16x1024xf32, #tpu.memory_space<vmem_shared>>
        %dma_wait3A_179 = arith.constant 0 : i32
        %dma_wait3A_180 = arith.constant 0 : i32
        %dma_wait3A_181 = tpu.memref_slice %arg18[%arg1, %dma_wait3A_179, %dma_wait3A_180] : memref<16x16x1024xf32, #tpu.memory_space<vmem_shared>> -> memref<1x16x1024xf32, #tpu.memory_space<vmem_shared>>
        %dma_wait3A_182 = tpu.memref_squeeze %dma_wait3A_181 : memref<1x16x1024xf32, #tpu.memory_space<vmem_shared>> -> memref<16x1024xf32, #tpu.memory_space<vmem_shared>>
        tpu.wait_dma2 semaphore(%run_scoped3A : memref<!tpu.dma_semaphore, #tpu.memory_space<semaphore_mem>>) src(%dma_wait3A_182 : memref<16x1024xf32, #tpu.memory_space<vmem_shared>>) dst(%arg6 : memref<16x1024xf32, #tpu.memory_space<vmem>>)
        tpu.yield
      }) : () -> ()
      %ge3A = arith.constant 1 : i32
      %ge3A_107 = arith.cmpi sge, %scan3A_93, %ge3A : i32
      %convert_element_type3A = arith.extui %ge3A_107 : i1 to i32
      %cond3A = arith.constant 0 : i32
      %cond3A_108 = arith.cmpi ne, %convert_element_type3A, %cond3A : i32
      scf.if %cond3A_108 {
        %dma_wait3A_167 = arith.constant 0 : i32
        %dma_wait3A_168 = arith.constant 0 : i32
        %dma_wait3A_169 = tpu.memref_slice %arg4[%dma_wait3A_167, %dma_wait3A_168] : memref<65536x528xf32, #tpu.memory_space<hbm>> -> memref<65536x528xf32, #tpu.memory_space<hbm>>
        tpu.wait_indirect_dma semaphore(%arg16 : memref<!tpu.dma_semaphore, #tpu.memory_space<semaphore_mem>>) src(%arg8 : memref<16x528xf32, #tpu.memory_space<vmem>>) dst(%dma_wait3A_169 : memref<65536x528xf32, #tpu.memory_space<hbm>>)
      } else {
      }
      %mul3A_109 = arith.constant 16 : i32
      %mul3A_110 = arith.muli %add3A_97, %mul3A_109 : i32
      %add3A_111 = arith.addi %mul3A_2, %mul3A_110 : i32
      %add3A_112 = vector.broadcast %add3A_111 : i32 to vector<16xi32>
      %add3A_113 = arith.addi %iota3A, %add3A_112 : vector<16xi32>
      %swap3A = arith.constant 0 : index
      %swap3A_114 = tpu.vector_load %arg12[%swap3A] {strides = array<i32>} : memref<16xi32, #tpu.memory_space<vmem>>, vector<16xi32>,
      tpu.vector_store %arg12[%swap3A], %add3A_113 {strides = array<i32>} : memref<16xi32, #tpu.memory_space<vmem>>, vector<16xi32>,
      %scan3A_115 = arith.constant 0 : i32
      %scan3A_116 = arith.constant 0 : i32
      %scan3A_117 = arith.constant 16 : i32
      %scan3A_118 = arith.addi %scan3A_116, %scan3A_117 : i32
      %scan3A_119 = arith.constant 1 : i32
      scf.for %scan3A_167 = %scan3A_116 to %scan3A_118 step %scan3A_119  : i32 {
        %broadcast_in_dim3A = vector.broadcast %scan3A_167 : i32 to vector<16xi32>
        %gather3A = tpu.vector_load_idx %arg6[%broadcast_in_dim3A, %get3A_3] : memref<16x1024xf32, #tpu.memory_space<vmem>>[vector<16xi32>, vector<16xi32>], vector<16xf32>,
        %gather3A_168 = tpu.vector_load_idx %arg6[%broadcast_in_dim3A, %get3A_5] : memref<16x1024xf32, #tpu.memory_space<vmem>>[vector<16xi32>, vector<16xi32>], vector<16xf32>,
        %gather3A_169 = tpu.vector_load_idx %arg6[%broadcast_in_dim3A, %get3A_7] : memref<16x1024xf32, #tpu.memory_space<vmem>>[vector<16xi32>, vector<16xi32>], vector<16xf32>,
        %gather3A_170 = tpu.vector_load_idx %arg6[%broadcast_in_dim3A, %get3A_9] : memref<16x1024xf32, #tpu.memory_space<vmem>>[vector<16xi32>, vector<16xi32>], vector<16xf32>,
        %gather3A_171 = tpu.vector_load_idx %arg6[%broadcast_in_dim3A, %get3A_11] : memref<16x1024xf32, #tpu.memory_space<vmem>>[vector<16xi32>, vector<16xi32>], vector<16xf32>,
        %gather3A_172 = tpu.vector_load_idx %arg6[%broadcast_in_dim3A, %get3A_13] : memref<16x1024xf32, #tpu.memory_space<vmem>>[vector<16xi32>, vector<16xi32>], vector<16xf32>,
        %gather3A_173 = tpu.vector_load_idx %arg6[%broadcast_in_dim3A, %get3A_15] : memref<16x1024xf32, #tpu.memory_space<vmem>>[vector<16xi32>, vector<16xi32>], vector<16xf32>,
        %gather3A_174 = tpu.vector_load_idx %arg6[%broadcast_in_dim3A, %get3A_17] : memref<16x1024xf32, #tpu.memory_space<vmem>>[vector<16xi32>, vector<16xi32>], vector<16xf32>,
        %swap3A_175 = arith.index_cast %scan3A_167 : i32 to index
        %swap3A_176 = arith.constant 0 : index
        %swap3A_177 = tpu.vector_load %arg8[%swap3A_175, %swap3A_176] {strides = array<i32>} : memref<16x528xf32, #tpu.memory_space<vmem>>, vector<16xf32>,
        tpu.vector_store %arg8[%swap3A_175, %swap3A_176], %gather3A {strides = array<i32>} : memref<16x528xf32, #tpu.memory_space<vmem>>, vector<16xf32>,
        %swap3A_178 = arith.index_cast %scan3A_167 : i32 to index
        %swap3A_179 = arith.constant 16 : index
        %swap3A_180 = tpu.vector_load %arg8[%swap3A_178, %swap3A_179] {strides = array<i32>} : memref<16x528xf32, #tpu.memory_space<vmem>>, vector<16xf32>,
        tpu.vector_store %arg8[%swap3A_178, %swap3A_179], %gather3A_168 {strides = array<i32>} : memref<16x528xf32, #tpu.memory_space<vmem>>, vector<16xf32>,
        %swap3A_181 = arith.index_cast %scan3A_167 : i32 to index
        %swap3A_182 = arith.constant 32 : index
        %swap3A_183 = tpu.vector_load %arg8[%swap3A_181, %swap3A_182] {strides = array<i32>} : memref<16x528xf32, #tpu.memory_space<vmem>>, vector<16xf32>,
        tpu.vector_store %arg8[%swap3A_181, %swap3A_182], %gather3A_169 {strides = array<i32>} : memref<16x528xf32, #tpu.memory_space<vmem>>, vector<16xf32>,
        %swap3A_184 = arith.index_cast %scan3A_167 : i32 to index
        %swap3A_185 = arith.constant 48 : index
        %swap3A_186 = tpu.vector_load %arg8[%swap3A_184, %swap3A_185] {strides = array<i32>} : memref<16x528xf32, #tpu.memory_space<vmem>>, vector<16xf32>,
        tpu.vector_store %arg8[%swap3A_184, %swap3A_185], %gather3A_170 {strides = array<i32>} : memref<16x528xf32, #tpu.memory_space<vmem>>, vector<16xf32>,
        %swap3A_187 = arith.index_cast %scan3A_167 : i32 to index
        %swap3A_188 = arith.constant 64 : index
        %swap3A_189 = tpu.vector_load %arg8[%swap3A_187, %swap3A_188] {strides = array<i32>} : memref<16x528xf32, #tpu.memory_space<vmem>>, vector<16xf32>,
        tpu.vector_store %arg8[%swap3A_187, %swap3A_188], %gather3A_171 {strides = array<i32>} : memref<16x528xf32, #tpu.memory_space<vmem>>, vector<16xf32>,
        %swap3A_190 = arith.index_cast %scan3A_167 : i32 to index
        %swap3A_191 = arith.constant 80 : index
        %swap3A_192 = tpu.vector_load %arg8[%swap3A_190, %swap3A_191] {strides = array<i32>} : memref<16x528xf32, #tpu.memory_space<vmem>>, vector<16xf32>,
        tpu.vector_store %arg8[%swap3A_190, %swap3A_191], %gather3A_172 {strides = array<i32>} : memref<16x528xf32, #tpu.memory_space<vmem>>, vector<16xf32>,
        %swap3A_193 = arith.index_cast %scan3A_167 : i32 to index
        %swap3A_194 = arith.constant 96 : index
        %swap3A_195 = tpu.vector_load %arg8[%swap3A_193, %swap3A_194] {strides = array<i32>} : memref<16x528xf32, #tpu.memory_space<vmem>>, vector<16xf32>,
        tpu.vector_store %arg8[%swap3A_193, %swap3A_194], %gather3A_173 {strides = array<i32>} : memref<16x528xf32, #tpu.memory_space<vmem>>, vector<16xf32>,
        %swap3A_196 = arith.index_cast %scan3A_167 : i32 to index
        %swap3A_197 = arith.constant 112 : index
        %swap3A_198 = tpu.vector_load %arg8[%swap3A_196, %swap3A_197] {strides = array<i32>} : memref<16x528xf32, #tpu.memory_space<vmem>>, vector<16xf32>,
        tpu.vector_store %arg8[%swap3A_196, %swap3A_197], %gather3A_174 {strides = array<i32>} : memref<16x528xf32, #tpu.memory_space<vmem>>, vector<16xf32>,
        %gather3A_199 = tpu.vector_load_idx %arg6[%broadcast_in_dim3A, %get3A_19] : memref<16x1024xf32, #tpu.memory_space<vmem>>[vector<16xi32>, vector<16xi32>], vector<16xf32>,
        %gather3A_200 = tpu.vector_load_idx %arg6[%broadcast_in_dim3A, %get3A_21] : memref<16x1024xf32, #tpu.memory_space<vmem>>[vector<16xi32>, vector<16xi32>], vector<16xf32>,
        %gather3A_201 = tpu.vector_load_idx %arg6[%broadcast_in_dim3A, %get3A_23] : memref<16x1024xf32, #tpu.memory_space<vmem>>[vector<16xi32>, vector<16xi32>], vector<16xf32>,
        %gather3A_202 = tpu.vector_load_idx %arg6[%broadcast_in_dim3A, %get3A_25] : memref<16x1024xf32, #tpu.memory_space<vmem>>[vector<16xi32>, vector<16xi32>], vector<16xf32>,
        %gather3A_203 = tpu.vector_load_idx %arg6[%broadcast_in_dim3A, %get3A_27] : memref<16x1024xf32, #tpu.memory_space<vmem>>[vector<16xi32>, vector<16xi32>], vector<16xf32>,
        %gather3A_204 = tpu.vector_load_idx %arg6[%broadcast_in_dim3A, %get3A_29] : memref<16x1024xf32, #tpu.memory_space<vmem>>[vector<16xi32>, vector<16xi32>], vector<16xf32>,
        %gather3A_205 = tpu.vector_load_idx %arg6[%broadcast_in_dim3A, %get3A_31] : memref<16x1024xf32, #tpu.memory_space<vmem>>[vector<16xi32>, vector<16xi32>], vector<16xf32>,
        %gather3A_206 = tpu.vector_load_idx %arg6[%broadcast_in_dim3A, %get3A_33] : memref<16x1024xf32, #tpu.memory_space<vmem>>[vector<16xi32>, vector<16xi32>], vector<16xf32>,
        %swap3A_207 = arith.index_cast %scan3A_167 : i32 to index
        %swap3A_208 = arith.constant 128 : index
        %swap3A_209 = tpu.vector_load %arg8[%swap3A_207, %swap3A_208] {strides = array<i32>} : memref<16x528xf32, #tpu.memory_space<vmem>>, vector<16xf32>,
        tpu.vector_store %arg8[%swap3A_207, %swap3A_208], %gather3A_199 {strides = array<i32>} : memref<16x528xf32, #tpu.memory_space<vmem>>, vector<16xf32>,
        %swap3A_210 = arith.index_cast %scan3A_167 : i32 to index
        %swap3A_211 = arith.constant 144 : index
        %swap3A_212 = tpu.vector_load %arg8[%swap3A_210, %swap3A_211] {strides = array<i32>} : memref<16x528xf32, #tpu.memory_space<vmem>>, vector<16xf32>,
        tpu.vector_store %arg8[%swap3A_210, %swap3A_211], %gather3A_200 {strides = array<i32>} : memref<16x528xf32, #tpu.memory_space<vmem>>, vector<16xf32>,
        %swap3A_213 = arith.index_cast %scan3A_167 : i32 to index
        %swap3A_214 = arith.constant 160 : index
        %swap3A_215 = tpu.vector_load %arg8[%swap3A_213, %swap3A_214] {strides = array<i32>} : memref<16x528xf32, #tpu.memory_space<vmem>>, vector<16xf32>,
        tpu.vector_store %arg8[%swap3A_213, %swap3A_214], %gather3A_201 {strides = array<i32>} : memref<16x528xf32, #tpu.memory_space<vmem>>, vector<16xf32>,
        %swap3A_216 = arith.index_cast %scan3A_167 : i32 to index
        %swap3A_217 = arith.constant 176 : index
        %swap3A_218 = tpu.vector_load %arg8[%swap3A_216, %swap3A_217] {strides = array<i32>} : memref<16x528xf32, #tpu.memory_space<vmem>>, vector<16xf32>,
        tpu.vector_store %arg8[%swap3A_216, %swap3A_217], %gather3A_202 {strides = array<i32>} : memref<16x528xf32, #tpu.memory_space<vmem>>, vector<16xf32>,
        %swap3A_219 = arith.index_cast %scan3A_167 : i32 to index
        %swap3A_220 = arith.constant 192 : index
        %swap3A_221 = tpu.vector_load %arg8[%swap3A_219, %swap3A_220] {strides = array<i32>} : memref<16x528xf32, #tpu.memory_space<vmem>>, vector<16xf32>,
        tpu.vector_store %arg8[%swap3A_219, %swap3A_220], %gather3A_203 {strides = array<i32>} : memref<16x528xf32, #tpu.memory_space<vmem>>, vector<16xf32>,
        %swap3A_222 = arith.index_cast %scan3A_167 : i32 to index
        %swap3A_223 = arith.constant 208 : index
        %swap3A_224 = tpu.vector_load %arg8[%swap3A_222, %swap3A_223] {strides = array<i32>} : memref<16x528xf32, #tpu.memory_space<vmem>>, vector<16xf32>,
        tpu.vector_store %arg8[%swap3A_222, %swap3A_223], %gather3A_204 {strides = array<i32>} : memref<16x528xf32, #tpu.memory_space<vmem>>, vector<16xf32>,
        %swap3A_225 = arith.index_cast %scan3A_167 : i32 to index
        %swap3A_226 = arith.constant 224 : index
        %swap3A_227 = tpu.vector_load %arg8[%swap3A_225, %swap3A_226] {strides = array<i32>} : memref<16x528xf32, #tpu.memory_space<vmem>>, vector<16xf32>,
        tpu.vector_store %arg8[%swap3A_225, %swap3A_226], %gather3A_205 {strides = array<i32>} : memref<16x528xf32, #tpu.memory_space<vmem>>, vector<16xf32>,
        %swap3A_228 = arith.index_cast %scan3A_167 : i32 to index
        %swap3A_229 = arith.constant 240 : index
        %swap3A_230 = tpu.vector_load %arg8[%swap3A_228, %swap3A_229] {strides = array<i32>} : memref<16x528xf32, #tpu.memory_space<vmem>>, vector<16xf32>,
        tpu.vector_store %arg8[%swap3A_228, %swap3A_229], %gather3A_206 {strides = array<i32>} : memref<16x528xf32, #tpu.memory_space<vmem>>, vector<16xf32>,
        %gather3A_231 = tpu.vector_load_idx %arg6[%broadcast_in_dim3A, %get3A_35] : memref<16x1024xf32, #tpu.memory_space<vmem>>[vector<16xi32>, vector<16xi32>], vector<16xf32>,
        %gather3A_232 = tpu.vector_load_idx %arg6[%broadcast_in_dim3A, %get3A_37] : memref<16x1024xf32, #tpu.memory_space<vmem>>[vector<16xi32>, vector<16xi32>], vector<16xf32>,
        %gather3A_233 = tpu.vector_load_idx %arg6[%broadcast_in_dim3A, %get3A_39] : memref<16x1024xf32, #tpu.memory_space<vmem>>[vector<16xi32>, vector<16xi32>], vector<16xf32>,
        %gather3A_234 = tpu.vector_load_idx %arg6[%broadcast_in_dim3A, %get3A_41] : memref<16x1024xf32, #tpu.memory_space<vmem>>[vector<16xi32>, vector<16xi32>], vector<16xf32>,
        %gather3A_235 = tpu.vector_load_idx %arg6[%broadcast_in_dim3A, %get3A_43] : memref<16x1024xf32, #tpu.memory_space<vmem>>[vector<16xi32>, vector<16xi32>], vector<16xf32>,
        %gather3A_236 = tpu.vector_load_idx %arg6[%broadcast_in_dim3A, %get3A_45] : memref<16x1024xf32, #tpu.memory_space<vmem>>[vector<16xi32>, vector<16xi32>], vector<16xf32>,
        %gather3A_237 = tpu.vector_load_idx %arg6[%broadcast_in_dim3A, %get3A_47] : memref<16x1024xf32, #tpu.memory_space<vmem>>[vector<16xi32>, vector<16xi32>], vector<16xf32>,
        %gather3A_238 = tpu.vector_load_idx %arg6[%broadcast_in_dim3A, %get3A_49] : memref<16x1024xf32, #tpu.memory_space<vmem>>[vector<16xi32>, vector<16xi32>], vector<16xf32>,
        %swap3A_239 = arith.index_cast %scan3A_167 : i32 to index
        %swap3A_240 = arith.constant 256 : index
        %swap3A_241 = tpu.vector_load %arg8[%swap3A_239, %swap3A_240] {strides = array<i32>} : memref<16x528xf32, #tpu.memory_space<vmem>>, vector<16xf32>,
        tpu.vector_store %arg8[%swap3A_239, %swap3A_240], %gather3A_231 {strides = array<i32>} : memref<16x528xf32, #tpu.memory_space<vmem>>, vector<16xf32>,
        %swap3A_242 = arith.index_cast %scan3A_167 : i32 to index
        %swap3A_243 = arith.constant 272 : index
        %swap3A_244 = tpu.vector_load %arg8[%swap3A_242, %swap3A_243] {strides = array<i32>} : memref<16x528xf32, #tpu.memory_space<vmem>>, vector<16xf32>,
        tpu.vector_store %arg8[%swap3A_242, %swap3A_243], %gather3A_232 {strides = array<i32>} : memref<16x528xf32, #tpu.memory_space<vmem>>, vector<16xf32>,
        %swap3A_245 = arith.index_cast %scan3A_167 : i32 to index
        %swap3A_246 = arith.constant 288 : index
        %swap3A_247 = tpu.vector_load %arg8[%swap3A_245, %swap3A_246] {strides = array<i32>} : memref<16x528xf32, #tpu.memory_space<vmem>>, vector<16xf32>,
        tpu.vector_store %arg8[%swap3A_245, %swap3A_246], %gather3A_233 {strides = array<i32>} : memref<16x528xf32, #tpu.memory_space<vmem>>, vector<16xf32>,
        %swap3A_248 = arith.index_cast %scan3A_167 : i32 to index
        %swap3A_249 = arith.constant 304 : index
        %swap3A_250 = tpu.vector_load %arg8[%swap3A_248, %swap3A_249] {strides = array<i32>} : memref<16x528xf32, #tpu.memory_space<vmem>>, vector<16xf32>,
        tpu.vector_store %arg8[%swap3A_248, %swap3A_249], %gather3A_234 {strides = array<i32>} : memref<16x528xf32, #tpu.memory_space<vmem>>, vector<16xf32>,
        %swap3A_251 = arith.index_cast %scan3A_167 : i32 to index
        %swap3A_252 = arith.constant 320 : index
        %swap3A_253 = tpu.vector_load %arg8[%swap3A_251, %swap3A_252] {strides = array<i32>} : memref<16x528xf32, #tpu.memory_space<vmem>>, vector<16xf32>,
        tpu.vector_store %arg8[%swap3A_251, %swap3A_252], %gather3A_235 {strides = array<i32>} : memref<16x528xf32, #tpu.memory_space<vmem>>, vector<16xf32>,
        %swap3A_254 = arith.index_cast %scan3A_167 : i32 to index
        %swap3A_255 = arith.constant 336 : index
        %swap3A_256 = tpu.vector_load %arg8[%swap3A_254, %swap3A_255] {strides = array<i32>} : memref<16x528xf32, #tpu.memory_space<vmem>>, vector<16xf32>,
        tpu.vector_store %arg8[%swap3A_254, %swap3A_255], %gather3A_236 {strides = array<i32>} : memref<16x528xf32, #tpu.memory_space<vmem>>, vector<16xf32>,
        %swap3A_257 = arith.index_cast %scan3A_167 : i32 to index
        %swap3A_258 = arith.constant 352 : index
        %swap3A_259 = tpu.vector_load %arg8[%swap3A_257, %swap3A_258] {strides = array<i32>} : memref<16x528xf32, #tpu.memory_space<vmem>>, vector<16xf32>,
        tpu.vector_store %arg8[%swap3A_257, %swap3A_258], %gather3A_237 {strides = array<i32>} : memref<16x528xf32, #tpu.memory_space<vmem>>, vector<16xf32>,
        %swap3A_260 = arith.index_cast %scan3A_167 : i32 to index
        %swap3A_261 = arith.constant 368 : index
        %swap3A_262 = tpu.vector_load %arg8[%swap3A_260, %swap3A_261] {strides = array<i32>} : memref<16x528xf32, #tpu.memory_space<vmem>>, vector<16xf32>,
        tpu.vector_store %arg8[%swap3A_260, %swap3A_261], %gather3A_238 {strides = array<i32>} : memref<16x528xf32, #tpu.memory_space<vmem>>, vector<16xf32>,
        %gather3A_263 = tpu.vector_load_idx %arg6[%broadcast_in_dim3A, %get3A_51] : memref<16x1024xf32, #tpu.memory_space<vmem>>[vector<16xi32>, vector<16xi32>], vector<16xf32>,
        %gather3A_264 = tpu.vector_load_idx %arg6[%broadcast_in_dim3A, %get3A_53] : memref<16x1024xf32, #tpu.memory_space<vmem>>[vector<16xi32>, vector<16xi32>], vector<16xf32>,
        %gather3A_265 = tpu.vector_load_idx %arg6[%broadcast_in_dim3A, %get3A_55] : memref<16x1024xf32, #tpu.memory_space<vmem>>[vector<16xi32>, vector<16xi32>], vector<16xf32>,
        %gather3A_266 = tpu.vector_load_idx %arg6[%broadcast_in_dim3A, %get3A_57] : memref<16x1024xf32, #tpu.memory_space<vmem>>[vector<16xi32>, vector<16xi32>], vector<16xf32>,
        %gather3A_267 = tpu.vector_load_idx %arg6[%broadcast_in_dim3A, %get3A_59] : memref<16x1024xf32, #tpu.memory_space<vmem>>[vector<16xi32>, vector<16xi32>], vector<16xf32>,
        %gather3A_268 = tpu.vector_load_idx %arg6[%broadcast_in_dim3A, %get3A_61] : memref<16x1024xf32, #tpu.memory_space<vmem>>[vector<16xi32>, vector<16xi32>], vector<16xf32>,
        %gather3A_269 = tpu.vector_load_idx %arg6[%broadcast_in_dim3A, %get3A_63] : memref<16x1024xf32, #tpu.memory_space<vmem>>[vector<16xi32>, vector<16xi32>], vector<16xf32>,
        %gather3A_270 = tpu.vector_load_idx %arg6[%broadcast_in_dim3A, %get3A_65] : memref<16x1024xf32, #tpu.memory_space<vmem>>[vector<16xi32>, vector<16xi32>], vector<16xf32>,
        %swap3A_271 = arith.index_cast %scan3A_167 : i32 to index
        %swap3A_272 = arith.constant 384 : index
        %swap3A_273 = tpu.vector_load %arg8[%swap3A_271, %swap3A_272] {strides = array<i32>} : memref<16x528xf32, #tpu.memory_space<vmem>>, vector<16xf32>,
        tpu.vector_store %arg8[%swap3A_271, %swap3A_272], %gather3A_263 {strides = array<i32>} : memref<16x528xf32, #tpu.memory_space<vmem>>, vector<16xf32>,
        %swap3A_274 = arith.index_cast %scan3A_167 : i32 to index
        %swap3A_275 = arith.constant 400 : index
        %swap3A_276 = tpu.vector_load %arg8[%swap3A_274, %swap3A_275] {strides = array<i32>} : memref<16x528xf32, #tpu.memory_space<vmem>>, vector<16xf32>,
        tpu.vector_store %arg8[%swap3A_274, %swap3A_275], %gather3A_264 {strides = array<i32>} : memref<16x528xf32, #tpu.memory_space<vmem>>, vector<16xf32>,
        %swap3A_277 = arith.index_cast %scan3A_167 : i32 to index
        %swap3A_278 = arith.constant 416 : index
        %swap3A_279 = tpu.vector_load %arg8[%swap3A_277, %swap3A_278] {strides = array<i32>} : memref<16x528xf32, #tpu.memory_space<vmem>>, vector<16xf32>,
        tpu.vector_store %arg8[%swap3A_277, %swap3A_278], %gather3A_265 {strides = array<i32>} : memref<16x528xf32, #tpu.memory_space<vmem>>, vector<16xf32>,
        %swap3A_280 = arith.index_cast %scan3A_167 : i32 to index
        %swap3A_281 = arith.constant 432 : index
        %swap3A_282 = tpu.vector_load %arg8[%swap3A_280, %swap3A_281] {strides = array<i32>} : memref<16x528xf32, #tpu.memory_space<vmem>>, vector<16xf32>,
        tpu.vector_store %arg8[%swap3A_280, %swap3A_281], %gather3A_266 {strides = array<i32>} : memref<16x528xf32, #tpu.memory_space<vmem>>, vector<16xf32>,
        %swap3A_283 = arith.index_cast %scan3A_167 : i32 to index
        %swap3A_284 = arith.constant 448 : index
        %swap3A_285 = tpu.vector_load %arg8[%swap3A_283, %swap3A_284] {strides = array<i32>} : memref<16x528xf32, #tpu.memory_space<vmem>>, vector<16xf32>,
        tpu.vector_store %arg8[%swap3A_283, %swap3A_284], %gather3A_267 {strides = array<i32>} : memref<16x528xf32, #tpu.memory_space<vmem>>, vector<16xf32>,
        %swap3A_286 = arith.index_cast %scan3A_167 : i32 to index
        %swap3A_287 = arith.constant 464 : index
        %swap3A_288 = tpu.vector_load %arg8[%swap3A_286, %swap3A_287] {strides = array<i32>} : memref<16x528xf32, #tpu.memory_space<vmem>>, vector<16xf32>,
        tpu.vector_store %arg8[%swap3A_286, %swap3A_287], %gather3A_268 {strides = array<i32>} : memref<16x528xf32, #tpu.memory_space<vmem>>, vector<16xf32>,
        %swap3A_289 = arith.index_cast %scan3A_167 : i32 to index
        %swap3A_290 = arith.constant 480 : index
        %swap3A_291 = tpu.vector_load %arg8[%swap3A_289, %swap3A_290] {strides = array<i32>} : memref<16x528xf32, #tpu.memory_space<vmem>>, vector<16xf32>,
        tpu.vector_store %arg8[%swap3A_289, %swap3A_290], %gather3A_269 {strides = array<i32>} : memref<16x528xf32, #tpu.memory_space<vmem>>, vector<16xf32>,
        %swap3A_292 = arith.index_cast %scan3A_167 : i32 to index
        %swap3A_293 = arith.constant 496 : index
        %swap3A_294 = tpu.vector_load %arg8[%swap3A_292, %swap3A_293] {strides = array<i32>} : memref<16x528xf32, #tpu.memory_space<vmem>>, vector<16xf32>,
        tpu.vector_store %arg8[%swap3A_292, %swap3A_293], %gather3A_270 {strides = array<i32>} : memref<16x528xf32, #tpu.memory_space<vmem>>, vector<16xf32>,
        %gather3A_295 = tpu.vector_load_idx %arg6[%broadcast_in_dim3A, %get3A_67] : memref<16x1024xf32, #tpu.memory_space<vmem>>[vector<16xi32>, vector<16xi32>], vector<16xf32>,
        %swap3A_296 = arith.index_cast %scan3A_167 : i32 to index
        %swap3A_297 = arith.constant 512 : index
        %swap3A_298 = tpu.vector_load %arg8[%swap3A_296, %swap3A_297] {strides = array<i32>} : memref<16x528xf32, #tpu.memory_space<vmem>>, vector<16xf32>,
        tpu.vector_store %arg8[%swap3A_296, %swap3A_297], %gather3A_295 {strides = array<i32>} : memref<16x528xf32, #tpu.memory_space<vmem>>, vector<16xf32>,
      }
      %scan3A_120 = arith.constant 16 : i32
      %dma_start3A_121 = arith.constant 0 : i32
      %dma_start3A_122 = arith.constant 0 : i32
      %dma_start3A_123 = tpu.memref_slice %arg4[%dma_start3A_121, %dma_start3A_122] : memref<65536x528xf32, #tpu.memory_space<hbm>> -> memref<65536x528xf32, #tpu.memory_space<hbm>>
      tpu.enqueue_indirect_dma source(%arg8 : memref<16x528xf32, #tpu.memory_space<vmem>>) target(%dma_start3A_123 : memref<65536x528xf32, #tpu.memory_space<hbm>>) offsets(%arg12 : memref<16xi32, #tpu.memory_space<vmem>>) semaphore(%arg16 : memref<!tpu.dma_semaphore, #tpu.memory_space<semaphore_mem>>)
      %lt3A = arith.constant 63 : i32
      %lt3A_124 = arith.cmpi slt, %scan3A_93, %lt3A : i32
      %convert_element_type3A_125 = arith.extui %lt3A_124 : i1 to i32
      %cond3A_126 = arith.constant 0 : i32
      %cond3A_127 = arith.cmpi ne, %convert_element_type3A_125, %cond3A_126 : i32
      scf.if %cond3A_127 {
        %add3A_167 = arith.constant 2 : i32
        %add3A_168 = arith.addi %add3A_97, %add3A_167 : i32
        %mul3A_169 = arith.constant 16 : i32
        %mul3A_170 = arith.muli %add3A_168, %mul3A_169 : i32
        %add3A_171 = arith.addi %mul3A_2, %mul3A_170 : i32
        %dma_start3A_172 = arith.constant 0 : i32
        %dma_start3A_173 = arith.constant 0 : i32
        %dma_start3A_174 = tpu.memref_slice %arg18[%arg1, %dma_start3A_172, %dma_start3A_173] : memref<16x16x1024xf32, #tpu.memory_space<vmem_shared>> -> memref<1x16x1024xf32, #tpu.memory_space<vmem_shared>>
        %dma_start3A_175 = tpu.memref_squeeze %dma_start3A_174 : memref<1x16x1024xf32, #tpu.memory_space<vmem_shared>> -> memref<16x1024xf32, #tpu.memory_space<vmem_shared>>
        %dma_start3A_176 = arith.constant 0 : i32
        %dma_start3A_177 = tpu.memref_slice %arg2[%add3A_171, %dma_start3A_176] : memref<65536x1024xf32, #tpu.memory_space<hbm>> -> memref<16x1024xf32, #tpu.memory_space<hbm>>
        tpu.enqueue_dma source(%dma_start3A_177 : memref<16x1024xf32, #tpu.memory_space<hbm>>) target(%dma_start3A_175 : memref<16x1024xf32, #tpu.memory_space<vmem_shared>>) target_semaphore(%arg14 : memref<!tpu.dma_semaphore, #tpu.memory_space<semaphore_mem>>)
      } else {
      }
      %mul3A_128 = arith.constant 2 : i32
      %mul3A_129 = arith.muli %scan3A_93, %mul3A_128 : i32
      %add3A_130 = arith.constant 1 : i32
      %add3A_131 = arith.addi %mul3A_129, %add3A_130 : i32
      %mul3A_132 = arith.constant 16 : i32
      %mul3A_133 = arith.muli %add3A_131, %mul3A_132 : i32
      %add3A_134 = arith.addi %mul3A_2, %mul3A_133 : i32
      %dma_wait3A_135 = arith.constant 0 : i32
      %dma_wait3A_136 = arith.constant 0 : i32
      %dma_wait3A_137 = tpu.memref_slice %arg19[%arg1, %dma_wait3A_135, %dma_wait3A_136] : memref<16x16x1024xf32, #tpu.memory_space<vmem_shared>> -> memref<1x16x1024xf32, #tpu.memory_space<vmem_shared>>
      %dma_wait3A_138 = tpu.memref_squeeze %dma_wait3A_137 : memref<1x16x1024xf32, #tpu.memory_space<vmem_shared>> -> memref<16x1024xf32, #tpu.memory_space<vmem_shared>>
      %dma_wait3A_139 = arith.constant 0 : i32
      %dma_wait3A_140 = tpu.memref_slice %arg2[%add3A_134, %dma_wait3A_139] : memref<65536x1024xf32, #tpu.memory_space<hbm>> -> memref<16x1024xf32, #tpu.memory_space<hbm>>
      tpu.wait_dma2 semaphore(%arg15 : memref<!tpu.dma_semaphore, #tpu.memory_space<semaphore_mem>>) src(%dma_wait3A_140 : memref<16x1024xf32, #tpu.memory_space<hbm>>) dst(%dma_wait3A_138 : memref<16x1024xf32, #tpu.memory_space<vmem_shared>>)
      "tpu.region"() ({
        %run_scoped3A = tpu.sem_alloc : memref<!tpu.dma_semaphore, #tpu.memory_space<semaphore_mem>>
        %dma_start3A_167 = arith.constant 0 : i32
        %dma_start3A_168 = arith.constant 0 : i32
        %dma_start3A_169 = tpu.memref_slice %arg19[%arg1, %dma_start3A_167, %dma_start3A_168] : memref<16x16x1024xf32, #tpu.memory_space<vmem_shared>> -> memref<1x16x1024xf32, #tpu.memory_space<vmem_shared>>
        %dma_start3A_170 = tpu.memref_squeeze %dma_start3A_169 : memref<1x16x1024xf32, #tpu.memory_space<vmem_shared>> -> memref<16x1024xf32, #tpu.memory_space<vmem_shared>>
        %dma_start3A_171 = arith.constant 0 : i32
        %dma_start3A_172 = arith.constant 0 : i32
        %dma_start3A_173 = tpu.memref_slice %arg19[%arg1, %dma_start3A_171, %dma_start3A_172] : memref<16x16x1024xf32, #tpu.memory_space<vmem_shared>> -> memref<1x16x1024xf32, #tpu.memory_space<vmem_shared>>
        %dma_start3A_174 = tpu.memref_squeeze %dma_start3A_173 : memref<1x16x1024xf32, #tpu.memory_space<vmem_shared>> -> memref<16x1024xf32, #tpu.memory_space<vmem_shared>>
        tpu.enqueue_dma source(%dma_start3A_174 : memref<16x1024xf32, #tpu.memory_space<vmem_shared>>) target(%arg7 : memref<16x1024xf32, #tpu.memory_space<vmem>>) target_semaphore(%run_scoped3A : memref<!tpu.dma_semaphore, #tpu.memory_space<semaphore_mem>>)
        %dma_wait3A_175 = arith.constant 0 : i32
        %dma_wait3A_176 = arith.constant 0 : i32
        %dma_wait3A_177 = tpu.memref_slice %arg19[%arg1, %dma_wait3A_175, %dma_wait3A_176] : memref<16x16x1024xf32, #tpu.memory_space<vmem_shared>> -> memref<1x16x1024xf32, #tpu.memory_space<vmem_shared>>
        %dma_wait3A_178 = tpu.memref_squeeze %dma_wait3A_177 : memref<1x16x1024xf32, #tpu.memory_space<vmem_shared>> -> memref<16x1024xf32, #tpu.memory_space<vmem_shared>>
        %dma_wait3A_179 = arith.constant 0 : i32
        %dma_wait3A_180 = arith.constant 0 : i32
        %dma_wait3A_181 = tpu.memref_slice %arg19[%arg1, %dma_wait3A_179, %dma_wait3A_180] : memref<16x16x1024xf32, #tpu.memory_space<vmem_shared>> -> memref<1x16x1024xf32, #tpu.memory_space<vmem_shared>>
        %dma_wait3A_182 = tpu.memref_squeeze %dma_wait3A_181 : memref<1x16x1024xf32, #tpu.memory_space<vmem_shared>> -> memref<16x1024xf32, #tpu.memory_space<vmem_shared>>
        tpu.wait_dma2 semaphore(%run_scoped3A : memref<!tpu.dma_semaphore, #tpu.memory_space<semaphore_mem>>) src(%dma_wait3A_182 : memref<16x1024xf32, #tpu.memory_space<vmem_shared>>) dst(%arg7 : memref<16x1024xf32, #tpu.memory_space<vmem>>)
        tpu.yield
      }) : () -> ()
      %ge3A_141 = arith.constant 1 : i32
      %ge3A_142 = arith.cmpi sge, %scan3A_93, %ge3A_141 : i32
      %convert_element_type3A_143 = arith.extui %ge3A_142 : i1 to i32
      %cond3A_144 = arith.constant 0 : i32
      %cond3A_145 = arith.cmpi ne, %convert_element_type3A_143, %cond3A_144 : i32
      scf.if %cond3A_145 {
        %dma_wait3A_167 = arith.constant 0 : i32
        %dma_wait3A_168 = arith.constant 0 : i32
        %dma_wait3A_169 = tpu.memref_slice %arg4[%dma_wait3A_167, %dma_wait3A_168] : memref<65536x528xf32, #tpu.memory_space<hbm>> -> memref<65536x528xf32, #tpu.memory_space<hbm>>
        tpu.wait_indirect_dma semaphore(%arg17 : memref<!tpu.dma_semaphore, #tpu.memory_space<semaphore_mem>>) src(%arg9 : memref<16x528xf32, #tpu.memory_space<vmem>>) dst(%dma_wait3A_169 : memref<65536x528xf32, #tpu.memory_space<hbm>>)
      } else {
      }
      %mul3A_146 = arith.constant 16 : i32
      %mul3A_147 = arith.muli %add3A_131, %mul3A_146 : i32
      %add3A_148 = arith.addi %mul3A_2, %mul3A_147 : i32
      %add3A_149 = vector.broadcast %add3A_148 : i32 to vector<16xi32>
      %add3A_150 = arith.addi %iota3A, %add3A_149 : vector<16xi32>
      %swap3A_151 = arith.constant 0 : index
      %swap3A_152 = tpu.vector_load %arg13[%swap3A_151] {strides = array<i32>} : memref<16xi32, #tpu.memory_space<vmem>>, vector<16xi32>,
      tpu.vector_store %arg13[%swap3A_151], %add3A_150 {strides = array<i32>} : memref<16xi32, #tpu.memory_space<vmem>>, vector<16xi32>,
      %scan3A_153 = arith.constant 0 : i32
      %scan3A_154 = arith.constant 0 : i32
      %scan3A_155 = arith.constant 16 : i32
      %scan3A_156 = arith.addi %scan3A_154, %scan3A_155 : i32
      %scan3A_157 = arith.constant 1 : i32
      scf.for %scan3A_167 = %scan3A_154 to %scan3A_156 step %scan3A_157  : i32 {
        %broadcast_in_dim3A = vector.broadcast %scan3A_167 : i32 to vector<16xi32>
        %gather3A = tpu.vector_load_idx %arg7[%broadcast_in_dim3A, %get3A_3] : memref<16x1024xf32, #tpu.memory_space<vmem>>[vector<16xi32>, vector<16xi32>], vector<16xf32>,
        %gather3A_168 = tpu.vector_load_idx %arg7[%broadcast_in_dim3A, %get3A_5] : memref<16x1024xf32, #tpu.memory_space<vmem>>[vector<16xi32>, vector<16xi32>], vector<16xf32>,
        %gather3A_169 = tpu.vector_load_idx %arg7[%broadcast_in_dim3A, %get3A_7] : memref<16x1024xf32, #tpu.memory_space<vmem>>[vector<16xi32>, vector<16xi32>], vector<16xf32>,
        %gather3A_170 = tpu.vector_load_idx %arg7[%broadcast_in_dim3A, %get3A_9] : memref<16x1024xf32, #tpu.memory_space<vmem>>[vector<16xi32>, vector<16xi32>], vector<16xf32>,
        %gather3A_171 = tpu.vector_load_idx %arg7[%broadcast_in_dim3A, %get3A_11] : memref<16x1024xf32, #tpu.memory_space<vmem>>[vector<16xi32>, vector<16xi32>], vector<16xf32>,
        %gather3A_172 = tpu.vector_load_idx %arg7[%broadcast_in_dim3A, %get3A_13] : memref<16x1024xf32, #tpu.memory_space<vmem>>[vector<16xi32>, vector<16xi32>], vector<16xf32>,
        %gather3A_173 = tpu.vector_load_idx %arg7[%broadcast_in_dim3A, %get3A_15] : memref<16x1024xf32, #tpu.memory_space<vmem>>[vector<16xi32>, vector<16xi32>], vector<16xf32>,
        %gather3A_174 = tpu.vector_load_idx %arg7[%broadcast_in_dim3A, %get3A_17] : memref<16x1024xf32, #tpu.memory_space<vmem>>[vector<16xi32>, vector<16xi32>], vector<16xf32>,
        %swap3A_175 = arith.index_cast %scan3A_167 : i32 to index
        %swap3A_176 = arith.constant 0 : index
        %swap3A_177 = tpu.vector_load %arg9[%swap3A_175, %swap3A_176] {strides = array<i32>} : memref<16x528xf32, #tpu.memory_space<vmem>>, vector<16xf32>,
        tpu.vector_store %arg9[%swap3A_175, %swap3A_176], %gather3A {strides = array<i32>} : memref<16x528xf32, #tpu.memory_space<vmem>>, vector<16xf32>,
        %swap3A_178 = arith.index_cast %scan3A_167 : i32 to index
        %swap3A_179 = arith.constant 16 : index
        %swap3A_180 = tpu.vector_load %arg9[%swap3A_178, %swap3A_179] {strides = array<i32>} : memref<16x528xf32, #tpu.memory_space<vmem>>, vector<16xf32>,
        tpu.vector_store %arg9[%swap3A_178, %swap3A_179], %gather3A_168 {strides = array<i32>} : memref<16x528xf32, #tpu.memory_space<vmem>>, vector<16xf32>,
        %swap3A_181 = arith.index_cast %scan3A_167 : i32 to index
        %swap3A_182 = arith.constant 32 : index
        %swap3A_183 = tpu.vector_load %arg9[%swap3A_181, %swap3A_182] {strides = array<i32>} : memref<16x528xf32, #tpu.memory_space<vmem>>, vector<16xf32>,
        tpu.vector_store %arg9[%swap3A_181, %swap3A_182], %gather3A_169 {strides = array<i32>} : memref<16x528xf32, #tpu.memory_space<vmem>>, vector<16xf32>,
        %swap3A_184 = arith.index_cast %scan3A_167 : i32 to index
        %swap3A_185 = arith.constant 48 : index
        %swap3A_186 = tpu.vector_load %arg9[%swap3A_184, %swap3A_185] {strides = array<i32>} : memref<16x528xf32, #tpu.memory_space<vmem>>, vector<16xf32>,
        tpu.vector_store %arg9[%swap3A_184, %swap3A_185], %gather3A_170 {strides = array<i32>} : memref<16x528xf32, #tpu.memory_space<vmem>>, vector<16xf32>,
        %swap3A_187 = arith.index_cast %scan3A_167 : i32 to index
        %swap3A_188 = arith.constant 64 : index
        %swap3A_189 = tpu.vector_load %arg9[%swap3A_187, %swap3A_188] {strides = array<i32>} : memref<16x528xf32, #tpu.memory_space<vmem>>, vector<16xf32>,
        tpu.vector_store %arg9[%swap3A_187, %swap3A_188], %gather3A_171 {strides = array<i32>} : memref<16x528xf32, #tpu.memory_space<vmem>>, vector<16xf32>,
        %swap3A_190 = arith.index_cast %scan3A_167 : i32 to index
        %swap3A_191 = arith.constant 80 : index
        %swap3A_192 = tpu.vector_load %arg9[%swap3A_190, %swap3A_191] {strides = array<i32>} : memref<16x528xf32, #tpu.memory_space<vmem>>, vector<16xf32>,
        tpu.vector_store %arg9[%swap3A_190, %swap3A_191], %gather3A_172 {strides = array<i32>} : memref<16x528xf32, #tpu.memory_space<vmem>>, vector<16xf32>,
        %swap3A_193 = arith.index_cast %scan3A_167 : i32 to index
        %swap3A_194 = arith.constant 96 : index
        %swap3A_195 = tpu.vector_load %arg9[%swap3A_193, %swap3A_194] {strides = array<i32>} : memref<16x528xf32, #tpu.memory_space<vmem>>, vector<16xf32>,
        tpu.vector_store %arg9[%swap3A_193, %swap3A_194], %gather3A_173 {strides = array<i32>} : memref<16x528xf32, #tpu.memory_space<vmem>>, vector<16xf32>,
        %swap3A_196 = arith.index_cast %scan3A_167 : i32 to index
        %swap3A_197 = arith.constant 112 : index
        %swap3A_198 = tpu.vector_load %arg9[%swap3A_196, %swap3A_197] {strides = array<i32>} : memref<16x528xf32, #tpu.memory_space<vmem>>, vector<16xf32>,
        tpu.vector_store %arg9[%swap3A_196, %swap3A_197], %gather3A_174 {strides = array<i32>} : memref<16x528xf32, #tpu.memory_space<vmem>>, vector<16xf32>,
        %gather3A_199 = tpu.vector_load_idx %arg7[%broadcast_in_dim3A, %get3A_19] : memref<16x1024xf32, #tpu.memory_space<vmem>>[vector<16xi32>, vector<16xi32>], vector<16xf32>,
        %gather3A_200 = tpu.vector_load_idx %arg7[%broadcast_in_dim3A, %get3A_21] : memref<16x1024xf32, #tpu.memory_space<vmem>>[vector<16xi32>, vector<16xi32>], vector<16xf32>,
        %gather3A_201 = tpu.vector_load_idx %arg7[%broadcast_in_dim3A, %get3A_23] : memref<16x1024xf32, #tpu.memory_space<vmem>>[vector<16xi32>, vector<16xi32>], vector<16xf32>,
        %gather3A_202 = tpu.vector_load_idx %arg7[%broadcast_in_dim3A, %get3A_25] : memref<16x1024xf32, #tpu.memory_space<vmem>>[vector<16xi32>, vector<16xi32>], vector<16xf32>,
        %gather3A_203 = tpu.vector_load_idx %arg7[%broadcast_in_dim3A, %get3A_27] : memref<16x1024xf32, #tpu.memory_space<vmem>>[vector<16xi32>, vector<16xi32>], vector<16xf32>,
        %gather3A_204 = tpu.vector_load_idx %arg7[%broadcast_in_dim3A, %get3A_29] : memref<16x1024xf32, #tpu.memory_space<vmem>>[vector<16xi32>, vector<16xi32>], vector<16xf32>,
        %gather3A_205 = tpu.vector_load_idx %arg7[%broadcast_in_dim3A, %get3A_31] : memref<16x1024xf32, #tpu.memory_space<vmem>>[vector<16xi32>, vector<16xi32>], vector<16xf32>,
        %gather3A_206 = tpu.vector_load_idx %arg7[%broadcast_in_dim3A, %get3A_33] : memref<16x1024xf32, #tpu.memory_space<vmem>>[vector<16xi32>, vector<16xi32>], vector<16xf32>,
        %swap3A_207 = arith.index_cast %scan3A_167 : i32 to index
        %swap3A_208 = arith.constant 128 : index
        %swap3A_209 = tpu.vector_load %arg9[%swap3A_207, %swap3A_208] {strides = array<i32>} : memref<16x528xf32, #tpu.memory_space<vmem>>, vector<16xf32>,
        tpu.vector_store %arg9[%swap3A_207, %swap3A_208], %gather3A_199 {strides = array<i32>} : memref<16x528xf32, #tpu.memory_space<vmem>>, vector<16xf32>,
        %swap3A_210 = arith.index_cast %scan3A_167 : i32 to index
        %swap3A_211 = arith.constant 144 : index
        %swap3A_212 = tpu.vector_load %arg9[%swap3A_210, %swap3A_211] {strides = array<i32>} : memref<16x528xf32, #tpu.memory_space<vmem>>, vector<16xf32>,
        tpu.vector_store %arg9[%swap3A_210, %swap3A_211], %gather3A_200 {strides = array<i32>} : memref<16x528xf32, #tpu.memory_space<vmem>>, vector<16xf32>,
        %swap3A_213 = arith.index_cast %scan3A_167 : i32 to index
        %swap3A_214 = arith.constant 160 : index
        %swap3A_215 = tpu.vector_load %arg9[%swap3A_213, %swap3A_214] {strides = array<i32>} : memref<16x528xf32, #tpu.memory_space<vmem>>, vector<16xf32>,
        tpu.vector_store %arg9[%swap3A_213, %swap3A_214], %gather3A_201 {strides = array<i32>} : memref<16x528xf32, #tpu.memory_space<vmem>>, vector<16xf32>,
        %swap3A_216 = arith.index_cast %scan3A_167 : i32 to index
        %swap3A_217 = arith.constant 176 : index
        %swap3A_218 = tpu.vector_load %arg9[%swap3A_216, %swap3A_217] {strides = array<i32>} : memref<16x528xf32, #tpu.memory_space<vmem>>, vector<16xf32>,
        tpu.vector_store %arg9[%swap3A_216, %swap3A_217], %gather3A_202 {strides = array<i32>} : memref<16x528xf32, #tpu.memory_space<vmem>>, vector<16xf32>,
        %swap3A_219 = arith.index_cast %scan3A_167 : i32 to index
        %swap3A_220 = arith.constant 192 : index
        %swap3A_221 = tpu.vector_load %arg9[%swap3A_219, %swap3A_220] {strides = array<i32>} : memref<16x528xf32, #tpu.memory_space<vmem>>, vector<16xf32>,
        tpu.vector_store %arg9[%swap3A_219, %swap3A_220], %gather3A_203 {strides = array<i32>} : memref<16x528xf32, #tpu.memory_space<vmem>>, vector<16xf32>,
        %swap3A_222 = arith.index_cast %scan3A_167 : i32 to index
        %swap3A_223 = arith.constant 208 : index
        %swap3A_224 = tpu.vector_load %arg9[%swap3A_222, %swap3A_223] {strides = array<i32>} : memref<16x528xf32, #tpu.memory_space<vmem>>, vector<16xf32>,
        tpu.vector_store %arg9[%swap3A_222, %swap3A_223], %gather3A_204 {strides = array<i32>} : memref<16x528xf32, #tpu.memory_space<vmem>>, vector<16xf32>,
        %swap3A_225 = arith.index_cast %scan3A_167 : i32 to index
        %swap3A_226 = arith.constant 224 : index
        %swap3A_227 = tpu.vector_load %arg9[%swap3A_225, %swap3A_226] {strides = array<i32>} : memref<16x528xf32, #tpu.memory_space<vmem>>, vector<16xf32>,
        tpu.vector_store %arg9[%swap3A_225, %swap3A_226], %gather3A_205 {strides = array<i32>} : memref<16x528xf32, #tpu.memory_space<vmem>>, vector<16xf32>,
        %swap3A_228 = arith.index_cast %scan3A_167 : i32 to index
        %swap3A_229 = arith.constant 240 : index
        %swap3A_230 = tpu.vector_load %arg9[%swap3A_228, %swap3A_229] {strides = array<i32>} : memref<16x528xf32, #tpu.memory_space<vmem>>, vector<16xf32>,
        tpu.vector_store %arg9[%swap3A_228, %swap3A_229], %gather3A_206 {strides = array<i32>} : memref<16x528xf32, #tpu.memory_space<vmem>>, vector<16xf32>,
        %gather3A_231 = tpu.vector_load_idx %arg7[%broadcast_in_dim3A, %get3A_35] : memref<16x1024xf32, #tpu.memory_space<vmem>>[vector<16xi32>, vector<16xi32>], vector<16xf32>,
        %gather3A_232 = tpu.vector_load_idx %arg7[%broadcast_in_dim3A, %get3A_37] : memref<16x1024xf32, #tpu.memory_space<vmem>>[vector<16xi32>, vector<16xi32>], vector<16xf32>,
        %gather3A_233 = tpu.vector_load_idx %arg7[%broadcast_in_dim3A, %get3A_39] : memref<16x1024xf32, #tpu.memory_space<vmem>>[vector<16xi32>, vector<16xi32>], vector<16xf32>,
        %gather3A_234 = tpu.vector_load_idx %arg7[%broadcast_in_dim3A, %get3A_41] : memref<16x1024xf32, #tpu.memory_space<vmem>>[vector<16xi32>, vector<16xi32>], vector<16xf32>,
        %gather3A_235 = tpu.vector_load_idx %arg7[%broadcast_in_dim3A, %get3A_43] : memref<16x1024xf32, #tpu.memory_space<vmem>>[vector<16xi32>, vector<16xi32>], vector<16xf32>,
        %gather3A_236 = tpu.vector_load_idx %arg7[%broadcast_in_dim3A, %get3A_45] : memref<16x1024xf32, #tpu.memory_space<vmem>>[vector<16xi32>, vector<16xi32>], vector<16xf32>,
        %gather3A_237 = tpu.vector_load_idx %arg7[%broadcast_in_dim3A, %get3A_47] : memref<16x1024xf32, #tpu.memory_space<vmem>>[vector<16xi32>, vector<16xi32>], vector<16xf32>,
        %gather3A_238 = tpu.vector_load_idx %arg7[%broadcast_in_dim3A, %get3A_49] : memref<16x1024xf32, #tpu.memory_space<vmem>>[vector<16xi32>, vector<16xi32>], vector<16xf32>,
        %swap3A_239 = arith.index_cast %scan3A_167 : i32 to index
        %swap3A_240 = arith.constant 256 : index
        %swap3A_241 = tpu.vector_load %arg9[%swap3A_239, %swap3A_240] {strides = array<i32>} : memref<16x528xf32, #tpu.memory_space<vmem>>, vector<16xf32>,
        tpu.vector_store %arg9[%swap3A_239, %swap3A_240], %gather3A_231 {strides = array<i32>} : memref<16x528xf32, #tpu.memory_space<vmem>>, vector<16xf32>,
        %swap3A_242 = arith.index_cast %scan3A_167 : i32 to index
        %swap3A_243 = arith.constant 272 : index
        %swap3A_244 = tpu.vector_load %arg9[%swap3A_242, %swap3A_243] {strides = array<i32>} : memref<16x528xf32, #tpu.memory_space<vmem>>, vector<16xf32>,
        tpu.vector_store %arg9[%swap3A_242, %swap3A_243], %gather3A_232 {strides = array<i32>} : memref<16x528xf32, #tpu.memory_space<vmem>>, vector<16xf32>,
        %swap3A_245 = arith.index_cast %scan3A_167 : i32 to index
        %swap3A_246 = arith.constant 288 : index
        %swap3A_247 = tpu.vector_load %arg9[%swap3A_245, %swap3A_246] {strides = array<i32>} : memref<16x528xf32, #tpu.memory_space<vmem>>, vector<16xf32>,
        tpu.vector_store %arg9[%swap3A_245, %swap3A_246], %gather3A_233 {strides = array<i32>} : memref<16x528xf32, #tpu.memory_space<vmem>>, vector<16xf32>,
        %swap3A_248 = arith.index_cast %scan3A_167 : i32 to index
        %swap3A_249 = arith.constant 304 : index
        %swap3A_250 = tpu.vector_load %arg9[%swap3A_248, %swap3A_249] {strides = array<i32>} : memref<16x528xf32, #tpu.memory_space<vmem>>, vector<16xf32>,
        tpu.vector_store %arg9[%swap3A_248, %swap3A_249], %gather3A_234 {strides = array<i32>} : memref<16x528xf32, #tpu.memory_space<vmem>>, vector<16xf32>,
        %swap3A_251 = arith.index_cast %scan3A_167 : i32 to index
        %swap3A_252 = arith.constant 320 : index
        %swap3A_253 = tpu.vector_load %arg9[%swap3A_251, %swap3A_252] {strides = array<i32>} : memref<16x528xf32, #tpu.memory_space<vmem>>, vector<16xf32>,
        tpu.vector_store %arg9[%swap3A_251, %swap3A_252], %gather3A_235 {strides = array<i32>} : memref<16x528xf32, #tpu.memory_space<vmem>>, vector<16xf32>,
        %swap3A_254 = arith.index_cast %scan3A_167 : i32 to index
        %swap3A_255 = arith.constant 336 : index
        %swap3A_256 = tpu.vector_load %arg9[%swap3A_254, %swap3A_255] {strides = array<i32>} : memref<16x528xf32, #tpu.memory_space<vmem>>, vector<16xf32>,
        tpu.vector_store %arg9[%swap3A_254, %swap3A_255], %gather3A_236 {strides = array<i32>} : memref<16x528xf32, #tpu.memory_space<vmem>>, vector<16xf32>,
        %swap3A_257 = arith.index_cast %scan3A_167 : i32 to index
        %swap3A_258 = arith.constant 352 : index
        %swap3A_259 = tpu.vector_load %arg9[%swap3A_257, %swap3A_258] {strides = array<i32>} : memref<16x528xf32, #tpu.memory_space<vmem>>, vector<16xf32>,
        tpu.vector_store %arg9[%swap3A_257, %swap3A_258], %gather3A_237 {strides = array<i32>} : memref<16x528xf32, #tpu.memory_space<vmem>>, vector<16xf32>,
        %swap3A_260 = arith.index_cast %scan3A_167 : i32 to index
        %swap3A_261 = arith.constant 368 : index
        %swap3A_262 = tpu.vector_load %arg9[%swap3A_260, %swap3A_261] {strides = array<i32>} : memref<16x528xf32, #tpu.memory_space<vmem>>, vector<16xf32>,
        tpu.vector_store %arg9[%swap3A_260, %swap3A_261], %gather3A_238 {strides = array<i32>} : memref<16x528xf32, #tpu.memory_space<vmem>>, vector<16xf32>,
        %gather3A_263 = tpu.vector_load_idx %arg7[%broadcast_in_dim3A, %get3A_51] : memref<16x1024xf32, #tpu.memory_space<vmem>>[vector<16xi32>, vector<16xi32>], vector<16xf32>,
        %gather3A_264 = tpu.vector_load_idx %arg7[%broadcast_in_dim3A, %get3A_53] : memref<16x1024xf32, #tpu.memory_space<vmem>>[vector<16xi32>, vector<16xi32>], vector<16xf32>,
        %gather3A_265 = tpu.vector_load_idx %arg7[%broadcast_in_dim3A, %get3A_55] : memref<16x1024xf32, #tpu.memory_space<vmem>>[vector<16xi32>, vector<16xi32>], vector<16xf32>,
        %gather3A_266 = tpu.vector_load_idx %arg7[%broadcast_in_dim3A, %get3A_57] : memref<16x1024xf32, #tpu.memory_space<vmem>>[vector<16xi32>, vector<16xi32>], vector<16xf32>,
        %gather3A_267 = tpu.vector_load_idx %arg7[%broadcast_in_dim3A, %get3A_59] : memref<16x1024xf32, #tpu.memory_space<vmem>>[vector<16xi32>, vector<16xi32>], vector<16xf32>,
        %gather3A_268 = tpu.vector_load_idx %arg7[%broadcast_in_dim3A, %get3A_61] : memref<16x1024xf32, #tpu.memory_space<vmem>>[vector<16xi32>, vector<16xi32>], vector<16xf32>,
        %gather3A_269 = tpu.vector_load_idx %arg7[%broadcast_in_dim3A, %get3A_63] : memref<16x1024xf32, #tpu.memory_space<vmem>>[vector<16xi32>, vector<16xi32>], vector<16xf32>,
        %gather3A_270 = tpu.vector_load_idx %arg7[%broadcast_in_dim3A, %get3A_65] : memref<16x1024xf32, #tpu.memory_space<vmem>>[vector<16xi32>, vector<16xi32>], vector<16xf32>,
        %swap3A_271 = arith.index_cast %scan3A_167 : i32 to index
        %swap3A_272 = arith.constant 384 : index
        %swap3A_273 = tpu.vector_load %arg9[%swap3A_271, %swap3A_272] {strides = array<i32>} : memref<16x528xf32, #tpu.memory_space<vmem>>, vector<16xf32>,
        tpu.vector_store %arg9[%swap3A_271, %swap3A_272], %gather3A_263 {strides = array<i32>} : memref<16x528xf32, #tpu.memory_space<vmem>>, vector<16xf32>,
        %swap3A_274 = arith.index_cast %scan3A_167 : i32 to index
        %swap3A_275 = arith.constant 400 : index
        %swap3A_276 = tpu.vector_load %arg9[%swap3A_274, %swap3A_275] {strides = array<i32>} : memref<16x528xf32, #tpu.memory_space<vmem>>, vector<16xf32>,
        tpu.vector_store %arg9[%swap3A_274, %swap3A_275], %gather3A_264 {strides = array<i32>} : memref<16x528xf32, #tpu.memory_space<vmem>>, vector<16xf32>,
        %swap3A_277 = arith.index_cast %scan3A_167 : i32 to index
        %swap3A_278 = arith.constant 416 : index
        %swap3A_279 = tpu.vector_load %arg9[%swap3A_277, %swap3A_278] {strides = array<i32>} : memref<16x528xf32, #tpu.memory_space<vmem>>, vector<16xf32>,
        tpu.vector_store %arg9[%swap3A_277, %swap3A_278], %gather3A_265 {strides = array<i32>} : memref<16x528xf32, #tpu.memory_space<vmem>>, vector<16xf32>,
        %swap3A_280 = arith.index_cast %scan3A_167 : i32 to index
        %swap3A_281 = arith.constant 432 : index
        %swap3A_282 = tpu.vector_load %arg9[%swap3A_280, %swap3A_281] {strides = array<i32>} : memref<16x528xf32, #tpu.memory_space<vmem>>, vector<16xf32>,
        tpu.vector_store %arg9[%swap3A_280, %swap3A_281], %gather3A_266 {strides = array<i32>} : memref<16x528xf32, #tpu.memory_space<vmem>>, vector<16xf32>,
        %swap3A_283 = arith.index_cast %scan3A_167 : i32 to index
        %swap3A_284 = arith.constant 448 : index
        %swap3A_285 = tpu.vector_load %arg9[%swap3A_283, %swap3A_284] {strides = array<i32>} : memref<16x528xf32, #tpu.memory_space<vmem>>, vector<16xf32>,
        tpu.vector_store %arg9[%swap3A_283, %swap3A_284], %gather3A_267 {strides = array<i32>} : memref<16x528xf32, #tpu.memory_space<vmem>>, vector<16xf32>,
        %swap3A_286 = arith.index_cast %scan3A_167 : i32 to index
        %swap3A_287 = arith.constant 464 : index
        %swap3A_288 = tpu.vector_load %arg9[%swap3A_286, %swap3A_287] {strides = array<i32>} : memref<16x528xf32, #tpu.memory_space<vmem>>, vector<16xf32>,
        tpu.vector_store %arg9[%swap3A_286, %swap3A_287], %gather3A_268 {strides = array<i32>} : memref<16x528xf32, #tpu.memory_space<vmem>>, vector<16xf32>,
        %swap3A_289 = arith.index_cast %scan3A_167 : i32 to index
        %swap3A_290 = arith.constant 480 : index
        %swap3A_291 = tpu.vector_load %arg9[%swap3A_289, %swap3A_290] {strides = array<i32>} : memref<16x528xf32, #tpu.memory_space<vmem>>, vector<16xf32>,
        tpu.vector_store %arg9[%swap3A_289, %swap3A_290], %gather3A_269 {strides = array<i32>} : memref<16x528xf32, #tpu.memory_space<vmem>>, vector<16xf32>,
        %swap3A_292 = arith.index_cast %scan3A_167 : i32 to index
        %swap3A_293 = arith.constant 496 : index
        %swap3A_294 = tpu.vector_load %arg9[%swap3A_292, %swap3A_293] {strides = array<i32>} : memref<16x528xf32, #tpu.memory_space<vmem>>, vector<16xf32>,
        tpu.vector_store %arg9[%swap3A_292, %swap3A_293], %gather3A_270 {strides = array<i32>} : memref<16x528xf32, #tpu.memory_space<vmem>>, vector<16xf32>,
        %gather3A_295 = tpu.vector_load_idx %arg7[%broadcast_in_dim3A, %get3A_67] : memref<16x1024xf32, #tpu.memory_space<vmem>>[vector<16xi32>, vector<16xi32>], vector<16xf32>,
        %swap3A_296 = arith.index_cast %scan3A_167 : i32 to index
        %swap3A_297 = arith.constant 512 : index
        %swap3A_298 = tpu.vector_load %arg9[%swap3A_296, %swap3A_297] {strides = array<i32>} : memref<16x528xf32, #tpu.memory_space<vmem>>, vector<16xf32>,
        tpu.vector_store %arg9[%swap3A_296, %swap3A_297], %gather3A_295 {strides = array<i32>} : memref<16x528xf32, #tpu.memory_space<vmem>>, vector<16xf32>,
      }
      %scan3A_158 = arith.constant 16 : i32
      %dma_start3A_159 = arith.constant 0 : i32
      %dma_start3A_160 = arith.constant 0 : i32
      %dma_start3A_161 = tpu.memref_slice %arg4[%dma_start3A_159, %dma_start3A_160] : memref<65536x528xf32, #tpu.memory_space<hbm>> -> memref<65536x528xf32, #tpu.memory_space<hbm>>
      tpu.enqueue_indirect_dma source(%arg9 : memref<16x528xf32, #tpu.memory_space<vmem>>) target(%dma_start3A_161 : memref<65536x528xf32, #tpu.memory_space<hbm>>) offsets(%arg13 : memref<16xi32, #tpu.memory_space<vmem>>) semaphore(%arg17 : memref<!tpu.dma_semaphore, #tpu.memory_space<semaphore_mem>>)
      %lt3A_162 = arith.constant 63 : i32
      %lt3A_163 = arith.cmpi slt, %scan3A_93, %lt3A_162 : i32
      %convert_element_type3A_164 = arith.extui %lt3A_163 : i1 to i32
      %cond3A_165 = arith.constant 0 : i32
      %cond3A_166 = arith.cmpi ne, %convert_element_type3A_164, %cond3A_165 : i32
      scf.if %cond3A_166 {
        %add3A_167 = arith.constant 2 : i32
        %add3A_168 = arith.addi %add3A_131, %add3A_167 : i32
        %mul3A_169 = arith.constant 16 : i32
        %mul3A_170 = arith.muli %add3A_168, %mul3A_169 : i32
        %add3A_171 = arith.addi %mul3A_2, %mul3A_170 : i32
        %dma_start3A_172 = arith.constant 0 : i32
        %dma_start3A_173 = arith.constant 0 : i32
        %dma_start3A_174 = tpu.memref_slice %arg19[%arg1, %dma_start3A_172, %dma_start3A_173] : memref<16x16x1024xf32, #tpu.memory_space<vmem_shared>> -> memref<1x16x1024xf32, #tpu.memory_space<vmem_shared>>
        %dma_start3A_175 = tpu.memref_squeeze %dma_start3A_174 : memref<1x16x1024xf32, #tpu.memory_space<vmem_shared>> -> memref<16x1024xf32, #tpu.memory_space<vmem_shared>>
        %dma_start3A_176 = arith.constant 0 : i32
        %dma_start3A_177 = tpu.memref_slice %arg2[%add3A_171, %dma_start3A_176] : memref<65536x1024xf32, #tpu.memory_space<hbm>> -> memref<16x1024xf32, #tpu.memory_space<hbm>>
        tpu.enqueue_dma source(%dma_start3A_177 : memref<16x1024xf32, #tpu.memory_space<hbm>>) target(%dma_start3A_175 : memref<16x1024xf32, #tpu.memory_space<vmem_shared>>) target_semaphore(%arg15 : memref<!tpu.dma_semaphore, #tpu.memory_space<semaphore_mem>>)
      } else {
      }
    }
    %scan3A_87 = arith.constant 64 : i32
    %dma_wait3A = arith.constant 0 : i32
    %dma_wait3A_88 = arith.constant 0 : i32
    %dma_wait3A_89 = tpu.memref_slice %arg4[%dma_wait3A, %dma_wait3A_88] : memref<65536x528xf32, #tpu.memory_space<hbm>> -> memref<65536x528xf32, #tpu.memory_space<hbm>>
    tpu.wait_indirect_dma semaphore(%arg16 : memref<!tpu.dma_semaphore, #tpu.memory_space<semaphore_mem>>) src(%arg8 : memref<16x528xf32, #tpu.memory_space<vmem>>) dst(%dma_wait3A_89 : memref<65536x528xf32, #tpu.memory_space<hbm>>)
    %dma_wait3A_90 = arith.constant 0 : i32
    %dma_wait3A_91 = arith.constant 0 : i32
    %dma_wait3A_92 = tpu.memref_slice %arg4[%dma_wait3A_90, %dma_wait3A_91] : memref<65536x528xf32, #tpu.memory_space<hbm>> -> memref<65536x528xf32, #tpu.memory_space<hbm>>
    tpu.wait_indirect_dma semaphore(%arg17 : memref<!tpu.dma_semaphore, #tpu.memory_space<semaphore_mem>>) src(%arg9 : memref<16x528xf32, #tpu.memory_space<vmem>>) dst(%dma_wait3A_92 : memref<65536x528xf32, #tpu.memory_space<hbm>>)
    return
  }
}

</mosaic_0001>

<sc_bundles>
// kernel: kernel.3.cloned.1.call-start
scs
__scs_entry_jumppad:
0x0: {  	(pc) =	sbr.rel $0x88, $3  }
0x1: {  	(tag) =	ssettag $0x0;
	lr =	simm.s32 $0x1  }
0x2: {  	[smem:$0x3FA0] =	sst lr;
	_ =	strace $0xD0000000  }
0x3: {  	_ = 	snop  }
0x4: {  	_ = 	snop  }
0x5: {  	_ = 	snop  }
0x6: {  	_ = 	snop  }
0x7: {  	_ = 	snop  }
__scs_overlays_trampoline_lowered:
0x8: {  	[smem:$0x3FAF] =	sst s0  }
0x9: {  	[smem:$0x3FB0] =	sst s1  }
0xa: {  	[smem:$0x3FB1] =	sst s2  }
0xb: {  	[smem:$0x3FB2] =	sst s3  }
0xc: {  	[smem:$0x3FB3] =	sst s4  }
0xd: {  	[smem:$0x3FB4] =	sst s5  }
0xe: {  	[smem:$0x3FB5] =	sst s6  }
0xf: {  	[smem:$0x3FB6] =	sst s7  }
0x10: {  	[smem:$0x3FB7] =	sst s8  }
0x11: {  	[smem:$0x3FB8] =	sst s9;
	s0 =	simm.s32 @!p0 $0x0  }
0x12: {  	s1 =	sld [smem:$0x3F9E];
	s0 =	simm.s32 @p0 $0x1  }
0x13: {  	[smem:$0x3FB9] =	sst s0;
	s0 =	simm.s32 @!p1 $0x0  }
0x14: {  	s2 =	sld [smem:$0x3F9D];
	s0 =	simm.s32 @p1 $0x1  }
0x15: {  	[smem:$0x3FBA] =	sst s0;
	s0 =	simm.s32 @!p2 $0x0  }
0x16: {  	s3 =	sld [smem:$0x3FDB];
	s0 =	simm.s32 @p2 $0x1  }
0x17: {  	s4 =	simm.s32 $0x1BF5;
	[smem:$0x3FBC] =	sst s0  }
0x18: {  	s0 =	sld [smem:$0x3F9F];
	_ =	swait.ge [sflag:s4], $0x0  }
0x19: {  	s7 =	sld [smem:$0x3FA0]  }
0x1a: {  	s8 =	sadd.s32 $0xFFFFE003, lr  }
0x1b: {  	s9 =	sadd.s32 $0xFFFFFEF7, lr;
	s5 =	simm.s32 $0xFFFFFFFF;
	p2 =	slt.u32 s8, $0xFFFFF086  }
0x1c: {  	p1 =	slt.u32 s9, $0xF7A;
	s5 =	simm.s32 @!p2 $0x0  }
0x1d: {  	s5 =	simm.s32 @p1 $0x1;
	p0 =	seq.s32 s7, s2  }
0x1e: {  	s7 =	smul.u32 @!p0 $0xF7A, s2;
	p2 =	seq.s32 @!p0 s5, $0x0  }
0x1f: {  	s9 =	smul.u32 $0xF7A, s1;
	s8 =	simm.s32 @!p0 $0x1BF5;
	p2 =	por !p2, p0  }
0x20: {  	[sflag:s8] =	ssyncset.s32 @!p0 $0xFFFFF086;
	s6 =	sadd.s32 @!p0 s3, s7;
	s7 =	simm.s32 @!p0 $0x108  }
0x21: {  	s3 =	sadd.s32 s3, s9;
	s6 =	sadd.s32 @!p0 $0x88, s6;
	s7 =	simm.s32 @p2 $0x1082  }
0x22: {  	[simem:s7], [sflag:s8] =	dma.local @!p0 [hbm:s6], $0xF7A  }
0x23: {  	s9 =	sor.u32 $0xD0000000, s2;
	s6 =	simm.s32 $0x108;
	_ =	swait.ge @!p0 [sflag:s8], $0x0  }
0x24: {  	s3 =	sadd.s32 $0x88, s3;
	s6 =	simm.s32 @!p1 $0x1082;
	[sflag:s4] =	ssyncset.s32 $0xFFFFF086  }
0x25: {  	[simem:s6], [sflag:s4] =	dma.local [hbm:s3], $0xF7A  }
0x26: {  	[smem:$0x3FA0] =	sst s1;
	(tag) =	ssettag s2;
	_ =	strace s9  }
0x27: {  	s1 =	sld [smem:$0x3FB0]  }
0x28: {  	s2 =	sld [smem:$0x3FB1]  }
0x29: {  	s4 =	sld [smem:$0x3FB3]  }
0x2a: {  	p0 =	seq.s32 s5, $0x0;
	s5 =	sld [smem:$0x3FB4]  }
0x2b: {  	s6 =	sld [smem:$0x3FB5]  }
0x2c: {  	s7 =	sld [smem:$0x3FB6]  }
0x2d: {  	s3 =	simm.s32 $0x108;
	s8 =	sld [smem:$0x3FB7]  }
0x2e: {  	s3 =	simm.s32 @!p0 $0x1082;
	s9 =	sld [smem:$0x3FB8]  }
0x2f: {  	lr =	sadd.s32 s0, s3;
	s0 =	sld [smem:$0x3FAF]  }
0x30: {  	s3 =	sld [smem:$0x3FB2]  }
0x31: {  	[smem:$0x3FBB] =	sst s10  }
0x32: {  	s10 =	sld [smem:$0x3FB9];
	_ =	sdelay $0x3  }
0x33: {  	p0 =	seq.s32 s10, $0x1;
	s10 =	sld [smem:$0x3FBB];
	_ =	sdelay $0x3  }
0x34: {  	[smem:$0x3FBB] =	sst s10  }
0x35: {  	s10 =	sld [smem:$0x3FBA];
	_ =	sdelay $0x3  }
0x36: {  	p1 =	seq.s32 s10, $0x1;
	s10 =	sld [smem:$0x3FBB];
	_ =	sdelay $0x3  }
0x37: {  	[smem:$0x3FBB] =	sst s10  }
0x38: {  	s10 =	sld [smem:$0x3FBC]  }
0x39: {  	_ = 	snop;
	(pc) =	sbr.ind lr, $3  }
0x3a: {  	_ = 	snop  }
0x3b: {  	_ = 	snop  }
0x3c: {  	p2 =	seq.s32 s10, $0x1;
	s10 =	sld [smem:$0x3FBB]  }
0x3d: {  	_ =	shalt  }
0x3e: {  	_ =	shalt  }
0x3f: {  	_ =	shalt  }
0x40: {  	_ =	shalt  }
0x41: {  	_ =	shalt  }
0x42: {  	_ =	shalt  }
0x43: {  	_ =	shalt  }
0x44: {  	_ =	shalt  }
0x45: {  	_ =	shalt  }
0x46: {  	_ =	shalt  }
0x47: {  	_ =	shalt  }
0x48: {  	_ =	shalt  }
0x49: {  	_ =	shalt  }
0x4a: {  	_ =	shalt  }
0x4b: {  	_ =	shalt  }
0x4c: {  	_ =	shalt  }
0x4d: {  	_ =	shalt  }
0x4e: {  	_ =	shalt  }
0x4f: {  	_ =	shalt  }
0x50: {  	_ =	shalt  }
0x51: {  	_ =	shalt  }
0x52: {  	_ =	shalt  }
0x53: {  	_ =	shalt  }
0x54: {  	_ =	shalt  }
0x55: {  	_ =	shalt  }
0x56: {  	_ =	shalt  }
0x57: {  	_ =	shalt  }
0x58: {  	_ =	shalt  }
0x59: {  	_ =	shalt  }
0x5a: {  	_ =	shalt  }
0x5b: {  	_ =	shalt  }
0x5c: {  	_ =	shalt  }
0x5d: {  	_ =	shalt  }
0x5e: {  	_ =	shalt  }
0x5f: {  	_ =	shalt  }
0x60: {  	_ =	shalt  }
0x61: {  	_ =	shalt  }
0x62: {  	_ =	shalt  }
0x63: {  	_ =	shalt  }
0x64: {  	_ =	shalt  }
0x65: {  	_ =	shalt  }
0x66: {  	_ =	shalt  }
0x67: {  	_ =	shalt  }
0x68: {  	_ =	shalt  }
0x69: {  	_ =	shalt  }
0x6a: {  	_ =	shalt  }
0x6b: {  	_ =	shalt  }
0x6c: {  	_ =	shalt  }
0x6d: {  	_ =	shalt  }
0x6e: {  	_ =	shalt  }
0x6f: {  	_ =	shalt  }
0x70: {  	_ =	shalt  }
0x71: {  	_ =	shalt  }
0x72: {  	_ =	shalt  }
0x73: {  	_ =	shalt  }
0x74: {  	_ =	shalt  }
0x75: {  	_ =	shalt  }
0x76: {  	_ =	shalt  }
0x77: {  	_ =	shalt  }
0x78: {  	_ =	shalt  }
0x79: {  	_ =	shalt  }
0x7a: {  	_ =	shalt  }
0x7b: {  	_ =	shalt  }
0x7c: {  	_ =	shalt  }
0x7d: {  	_ =	shalt  }
0x7e: {  	_ =	shalt  }
0x7f: {  	_ =	shalt  }
0x80: {  	_ =	shalt  }
0x81: {  	_ =	shalt  }
0x82: {  	_ =	shalt  }
0x83: {  	_ =	shalt  }
0x84: {  	_ =	shalt  }
0x85: {  	_ =	shalt  }
0x86: {  	_ =	shalt  }
0x87: {  	_ =	shalt  }
.Lfunc_end0:
.L_simem_size_0:
called_computation.1_lowered:
.L_overlay_start_0:
0x88: {  	s2 =	sld [smem:$0x3FD9]  }
0x89: {  	s3 =	sld [smem:$0x3FFE];
	_ =	sdelay $0x1  }
0x8a: {  	s1 =	srdreg.scid  }
0x8b: {  	s0 =	sand.u32 $0x1, s1  }
0x8c: {  	s17 =	sshll.u32 s0, $0xA;
	s2 =	sadd.s32 s3, s2  }
0x8d: {  	s2 =	sadd.s32 s2, s17  }
0x8e: {  	[smem:$0x3FC7] =	sst s2  }
0x8f: {  	_ = 	snop  }
0x90: {  	s2 =	sld [smem:$0x3FD0];
	(tm) =	ssettm $0x1  }
0x91: {  	s18 =	sld [smem:$0x3FFB];
	_ =	sdelay $0x3  }
0x92: {  	_ =	strace s18  }
0x93: {  	s3 =	sld [smem:$0x3FFC];
	_ =	sdelay $0x3  }
0x94: {  	_ =	strace s3  }
0x95: {  	s3 =	sld [smem:$0x3FFD];
	_ =	sdelay $0x3  }
0x96: {  	_ =	strace s3  }
0x97: {  	_ =	strace $0x8FFFFFFF  }
0x98: {  	s19 =	sld [smem:$0x3FDB];
	_ =	sdelay $0x1  }
0x99: {  	s4 =	simm.s32 $_scs_section_size  }
0x9a: {  	s5 =	simm.s32 $_size__tile_overlayer_lowered;
	s6 =	simm.s32 $_tile_overlayer_lowered  }
0x9b: {  	s22 =	simm.s32 $0x1BFF;
	s21 =	sshll.u32 s6, $0x1;
	s3 =	sadd.s32 s4, s19  }
0x9c: {  	s7 =	simm.s32 $0x0;
	s20 =	sshll.u32 s5, $0x1;
	s5 =	sadd.s32 s21, s3  }
0x9d: {  	[timem:s7], [sflag:s22] =	dma.local [hbm:s5], s20  }
0x9e: {  	_ =	swait.ge [sflag:s22], s20  }
0x9f: {  	s4 =	ssub.s32 $0x0, s20;
	[sflag:s22] =	ssyncset.done $0x0  }
0xa0: {  	[sflag:s22] =	ssyncadd.s32 s4;
	_ =	sdelay $0x1  }
0xa1: {  	s23 =	simm.s32 $0x1B8B  }
0xa2: {  	_ =	swait.ge [sflag:s23], $0x1  }
0xa3: {  	[sflag:s23] =	ssyncset.done $0x0  }
0xa4: {  	s25 =	simm.s32 $0x1B8E;
	s24 =	sld [smem:$0x3FFE];
	[sflag:s23] =	ssyncadd.s32 $0xFFFFFFFF  }
0xa5: {  	s26 =	simm.s32 $execute0_lowered;
	[smem:$0x3FD2] =	sst s25  }
0xa6: {  	s5 =	sshll.u32 s26, $0x1;
	_ =	strace $0x80000046;
	[dreg:$0x1] =	wrdreg $0xFFFFFFFF  }
0xa7: {  	s28 =	simm.s32 $_size_execute0_lowered;
	s3 =	sadd.s32 s3, s5;
	[dreg:$0x0] =	wrdreg $0x0  }
0xa8: {  	s5 =	sshll.u32 s28, $0x1;
	[dreg:$0x2] =	wrdreg s3  }
0xa9: {  	[dreg:$0x3] =	wrdreg s5  }
0xaa: {  	[dreg:$0x4] =	wrdreg $0xC0  }
0xab: {  	_ =	task [dreg:s7], $0x5FFFF  }
0xac: {  	[dreg:$0x1] =	wrdreg $0xFFFFFFFF  }
0xad: {  	[dreg:$0x0] =	wrdreg $0x60  }
0xae: {  	[dreg:$0x2] =	wrdreg s24  }
0xaf: {  	[dreg:$0x3] =	wrdreg s2  }
0xb0: {  	[dreg:$0x4] =	wrdreg $0xC4300  }
0xb1: {  	[dreg:$0x5] =	wrdreg $0x104300  }
0xb2: {  	[dreg:$0x6] =	wrdreg $0x9  }
0xb3: {  	_ =	task.clear_ibuf [dreg:s7], $0x7FFFF;
	_ =	strace $0x90000046  }
0xb4: {  	s29 =	simm.s32 $0x9;
	_ =	strace $0x80000048  }
0xb5: {  	_ =	swait.ge [sflag:s29], $0x1  }
0xb6: {  	[sflag:s29] =	ssyncadd.s32 $0xFFFFFFFF  }
0xb7: {  	_ =	strace $0x90000048  }
0xb8: {  	_ =	sfence  }
0xb9: {  	s30 =	sld [smem:$0x0];
	_ =	sdelay $0x2  }
0xba: {  	s31 =	sshll.u32 s1, $0xD;
	s1 =	sshrl.u32 s1, $0x2  }
0xbb: {  	s3 =	sand.u32 $0x4000, s31;
	s1 =	sadd.s32 s1, s30  }
0xbc: {  	s0 =	sor.u32 s3, s0;
	s1 =	sshll.u32 s1, $0x11  }
0xbd: {  	s0 =	sor.u32 s1, s0  }
0xbe: {  	s0 =	sadd.s32 $0x8F2B, s0  }
0xbf: {  	[sflag:s0] =	ssyncadd.remote.s32 $0x1  }
0xc0: {  	_ =	sfence.sel $0xFFFF  }
0xc1: {  	[dreg:$0x0] =	wrdreg $0xFFFFFFFF;
	(pc) =	sbr.abs _section_cstart, $3  }
0xc2: {  	[dreg:$0x1] =	wrdreg $0xFFFFFFFF  }
0xc3: {  	_ =	task.clear_ibuf [dreg:s7], $0x2FFFF;
	_ =	strace $0x9FFFFFFF  }
0xc4: {  	(tm) =	ssettm $0x7FFFFFFF  }
0xc5: {  	_ =	shalt  }
tec
execute0_lowered:
.L_overlay_start_1:
0x0: {  	(tag) =	ssettag $0x1  }
0x1: {  	s0 =	rddreg [dreg:$0x0]  }
0x2: {  	s1 =	rddreg [dreg:$0x1]  }
0x3: {  	s2 =	rddreg [dreg:$0x2]  }
0x4: {  	s3 =	rddreg [dreg:$0x3];
	s5 =	simm.s32 $0x0;
	s4 =	srdreg.scid  }
0x5: {  	s10 =	stileid.u32;
	s14 =	simm.s32 $0x5;
	s19 =	simm.s32 $0x1  }
0x6: {  	s20 =	simm.s32 $0x210;
	s28 =	simm.s32 $0xA310;
	s29 =	simm.s32 $0x3  }
0x7: {  	s30 =	simm.s32 $0x4;
	s31 =	simm.s32 $0x0;
	[smem:$0x7FF] =	sst s5  }
0x8: {  	s21 =	sand.u32 $0x1, s4;
	s6 =	sshll.u32 s10, $0xC;
	s4 =	sadd.s32 $0x2000A00, s0  }
0x9: {  	s0 =	sadd.s32 $0xA00, s0;
	s23 =	sshll.u32 s10, $0xE;
	s25 =	sshll.u32 s10, $0x6  }
0xa: {  	_ =	strace $0x80000047;
	s7 =	sshll.u32 s21, $0xB;
	s8 =	ssub.s32 $0x2, s21  }
0xb: {  	[dreg:$0x5] =	wrdreg s0;
	s9 =	sadd.s32 s23, s3;
	s15 =	sor.u32 $0x1C01, s25  }
0xc: {  	s17 =	sor.u32 $0x1C02, s25;
	s21 =	simm.s32 $0x10;
	s25 =	simm.s32 $0x4210  }
0xd: {  	s5 =	sor.u32 s7, s6;
	s22 =	sshrl.u32 s8, $0x1;
	s18 =	sshrl.u32 s9, $0x3  }
0xe: {  	s6 =	sshll.u32 s5, $0x7;
	s0 =	ssub.s32 s8, s22;
	s8 =	sadd.s32 s23, s2  }
.Ltmp0:
0xf: {  	s11 =	sor.u32 $0x20, s5;
	s6 =	sadd.s32 s4, s6;
	(pc) =	sbr.rel .LBB2_1-.Ltmp0, $4  }
0x10: {  	s12 =	sor.u32 $0x30, s5;
	s0 =	smax.u32 s0, $0x1;
	[dreg:$0x6] =	wrdreg s6  }
0x11: {  	s22 =	simm.s32 $0xC410;
	s26 =	sshrl.u32 s8, $0x3;
	[dreg:$0x8] =	wrdreg s0  }
0x12: {  	s23 =	simm.s32 $0x8210;
	s24 =	sadd.s32 $0x800, s6;
	[dreg:$0x9] =	wrdreg s26  }
0x13: {  	v0 =	vlaneseq.u32;
	s26 =	simm.s32 $0xC420;
	[dreg:$0x7] =	wrdreg s24;
	s24 =	simm.s32 $0x2  }
.LBB2_8:
0x14: {  	_ =	swait.ge [sflag:s29], $0x2100  }
0x15: {  	[sflag:s29] =	ssyncset.done $0x0  }
0x16: {  	[sflag:s29] =	ssyncadd.s32 $0xFFFFDF00  }
0x17: {  	_ =	swait.ge [sflag:s30], $0x2100  }
0x18: {  	s31 =	sadd.s32 $0x1, s31;
	s0 =	rddreg [dreg:$0x8]  }
0x19: {  	p0 =	sne.s32 s31, s0  }
.Ltmp1:
0x1a: {  	_ = 	snop;
	(pc) =	sbr.rel @!p0 .LBB2_9-.Ltmp1, $3  }
0x1b: {  	_ =	sdelay $0x1  }
0x1c: {  	[sflag:s30] =	ssyncset.done $0x0  }
0x1d: {  	[sflag:s30] =	ssyncadd.s32 $0xFFFFDF00  }
.LBB2_1:
0x1e: {  	s0 =	simm.s32 $0x0;
	s2 =	rddreg [dreg:$0x5]  }
0x1f: {  	[tilespmem:s0], [sflag:$0x5] =	stream.linear.gather [hbm4b:s2+s0], $0x210, $0x38;
	[tilespmem:$0x14430] =	vst v63  }
0x20: {  	_ =	swait.ge [sflag:s14], $0x210  }
0x21: {  	[sflag:s14] =	ssyncset.done $0x0  }
0x22: {  	[sflag:s14] =	ssyncadd.s32 $0xFFFFFDF0  }
0x23: {  	v1 =	vld [tilespmem:$0x0]  }
0x24: {  	v2 =	vld [tilespmem:$0x10]  }
0x25: {  	v3 =	vld [tilespmem:$0x20]  }
0x26: {  	v4 =	vld [tilespmem:$0x30]  }
0x27: {  	v5 =	vld [tilespmem:$0x40]  }
0x28: {  	v6 =	vld [tilespmem:$0x50]  }
0x29: {  	v7 =	vld [tilespmem:$0x60]  }
0x2a: {  	v8 =	vld [tilespmem:$0x70]  }
0x2b: {  	v9 =	vld [tilespmem:$0x80]  }
0x2c: {  	v10 =	vld [tilespmem:$0x90]  }
0x2d: {  	v11 =	vld [tilespmem:$0xA0]  }
0x2e: {  	v12 =	vld [tilespmem:$0xB0]  }
0x2f: {  	v13 =	vld [tilespmem:$0xC0]  }
0x30: {  	v14 =	vld [tilespmem:$0xD0]  }
0x31: {  	v15 =	vld [tilespmem:$0xE0]  }
0x32: {  	v16 =	vld [tilespmem:$0xF0]  }
0x33: {  	v17 =	vld [tilespmem:$0x100]  }
0x34: {  	v18 =	vld [tilespmem:$0x110]  }
0x35: {  	v19 =	vld [tilespmem:$0x120]  }
0x36: {  	v20 =	vld [tilespmem:$0x130]  }
0x37: {  	v21 =	vld [tilespmem:$0x140]  }
0x38: {  	v22 =	vld [tilespmem:$0x150]  }
0x39: {  	v23 =	vld [tilespmem:$0x160]  }
0x3a: {  	v24 =	vld [tilespmem:$0x170]  }
0x3b: {  	v25 =	vld [tilespmem:$0x180]  }
0x3c: {  	v26 =	vld [tilespmem:$0x190]  }
0x3d: {  	v27 =	vld [tilespmem:$0x1A0]  }
0x3e: {  	v28 =	vld [tilespmem:$0x1B0]  }
0x3f: {  	v29 =	vld [tilespmem:$0x1C0]  }
0x40: {  	v30 =	vld [tilespmem:$0x1D0]  }
0x41: {  	s13 =	rddreg [dreg:$0x6];
	v31 =	vld [tilespmem:$0x1E0]  }
0x42: {  	s16 =	rddreg [dreg:$0x9];
	v32 =	vld [tilespmem:$0x1F0]  }
0x43: {  	v33 =	vld [tilespmem:$0x200];
	[spmem:s16], [sflag:s15] =	dma.local [hbm:s13], $0x800  }
0x44: {  	s0 =	rddreg [dreg:$0x7]  }
0x45: {  	[spmem:s18], [sflag:s17] =	dma.local [hbm:s0], $0x800  }
0x46: {  	s0 =	simm.s32 $0x0  }
.LBB2_2:
0x47: {  	_ =	swait.ge [sflag:s19], $0x800  }
0x48: {  	[sflag:s19] =	ssyncset.done $0x0  }
0x49: {  	[sflag:s19] =	ssyncadd.s32 $0xFFFFF800  }
0x4a: {  	[tilespmem:s20], [sflag:$0x5] =	stream.linear.gather [spmem:s8], $0x4000, $0x38;
	[tilespmem:$0x14430] =	vst v63  }
0x4b: {  	_ =	swait.ge [sflag:s14], $0x4000  }
0x4c: {  	p0 =	seq.s32 s0, $0x0;
	s6 =	simm.s32 $0x0;
	[sflag:s14] =	ssyncset.done $0x0  }
0x4d: {  	s7 =	simm.s32 @!p0 $0x3;
	v34 =	vadd.s32 s6, v1;
	[sflag:s14] =	ssyncadd.s32 $0xFFFFC000  }
0x4e: {  	s2 =	sshll.u32 s0, $0x5;
	v35 =	vadd.s32 s6, v8;
	_ =	swait.ge @!p0 [sflag:s7], $0x2100  }
0x4f: {  	s3 =	sor.u32 s5, s2;
	v36 =	vadd.s32 s6, v7;
	[sflag:s7] =	ssyncset.done @!p0 $0x0  }
0x50: {  	v38 =	vadd.s32 s6, v2;
	v37 =	vor.u32 s3, v0;
	[sflag:s7] =	ssyncadd.s32 @!p0 $0xFFFFDF00  }
0x51: {  	v54 =	vadd.s32 s6, v6;
	[tilespmem:$0xC410] =	vst v37  }
0x52: {  	v39 =	vadd.s32 s6, v5;
	v34 =	vld.idx.msk [tilespmem:v34+s20+$0x0], $0xffff  }
0x53: {  	v40 =	vadd.s32 s6, v4;
	v35 =	vld.idx.msk [tilespmem:v35+s20+$0x0], $0xffff  }
0x54: {  	v41 =	vadd.s32 s6, v3;
	v36 =	vld.idx.msk [tilespmem:v36+s20+$0x0], $0xffff  }
0x55: {  	v38 =	vld.idx.msk [tilespmem:v38+s20+$0x0], $0xffff  }
0x56: {  	v37 =	vld.idx.msk [tilespmem:v54+s20+$0x0], $0xffff  }
0x57: {  	v39 =	vld.idx.msk [tilespmem:v39+s20+$0x0], $0xffff  }
0x58: {  	s10 =	simm.s32 $0x8310;
	v40 =	vld.idx.msk [tilespmem:v40+s20+$0x0], $0xffff  }
0x59: {  	v41 =	vld.idx.msk [tilespmem:v41+s20+$0x0], $0xffff;
	[tilespmem:s10+$0xFFFFFF00] =	vst v34  }
0x5a: {  	[tilespmem:s10+$0xFFFFFF10] =	vst v38  }
0x5b: {  	[tilespmem:s10+$0xFFFFFF50] =	vst v37  }
0x5c: {  	v55 =	vadd.s32 s6, v14;
	[tilespmem:s10+$0xFFFFFF60] =	vst v36  }
0x5d: {  	v56 =	vadd.s32 s6, v13;
	[tilespmem:s10+$0xFFFFFF40] =	vst v39  }
0x5e: {  	v57 =	vadd.s32 s6, v16;
	[tilespmem:s10+$0xFFFFFF20] =	vst v41  }
0x5f: {  	v58 =	vadd.s32 s6, v12;
	[tilespmem:s10+$0xFFFFFF70] =	vst v35  }
0x60: {  	v59 =	vadd.s32 s6, v11;
	[tilespmem:s10+$0xFFFFFF30] =	vst v40  }
0x61: {  	v60 =	vadd.s32 s6, v15;
	v34 =	vld.idx.msk [tilespmem:v55+s20+$0x0], $0xffff  }
0x62: {  	v61 =	vadd.s32 s6, v9;
	v36 =	vld.idx.msk [tilespmem:v56+s20+$0x0], $0xffff  }
0x63: {  	v62 =	vadd.s32 s6, v10;
	v37 =	vld.idx.msk [tilespmem:v57+s20+$0x0], $0xffff  }
0x64: {  	v35 =	vld.idx.msk [tilespmem:v58+s20+$0x0], $0xffff  }
0x65: {  	v38 =	vld.idx.msk [tilespmem:v59+s20+$0x0], $0xffff  }
0x66: {  	v39 =	vld.idx.msk [tilespmem:v60+s20+$0x0], $0xffff  }
0x67: {  	v40 =	vld.idx.msk [tilespmem:v61+s20+$0x0], $0xffff  }
0x68: {  	v41 =	vld.idx.msk [tilespmem:v62+s20+$0x0], $0xffff;
	[tilespmem:s10+$0xFFFFFFC0] =	vst v36  }
0x69: {  	[tilespmem:s10+$0xFFFFFFB0] =	vst v35  }
0x6a: {  	[tilespmem:s10+$0xFFFFFFA0] =	vst v38  }
0x6b: {  	v63 =	vadd.s32 s6, v23;
	[tilespmem:s10+$0xFFFFFFD0] =	vst v34  }
0x6c: {  	v42 =	vadd.s32 s6, v24;
	[tilespmem:s10+$0xFFFFFFE0] =	vst v39  }
0x6d: {  	[tilespmem:s10+$0xFFFFFF90] =	vst v41  }
0x6e: {  	[tilespmem:s10+$0xFFFFFFF0] =	vst v37;
	v38 =	vadd.s32 s6, v20  }
0x6f: {  	[tilespmem:s10+$0xFFFFFF80] =	vst v40;
	v36 =	vadd.s32 s6, v19  }
0x70: {  	v39 =	vadd.s32 s6, v22;
	v35 =	vld.idx.msk [tilespmem:v63+s20+$0x0], $0xffff  }
0x71: {  	s16 =	simm.s32 $0x1;
	s13 =	simm.s32 $0x8310;
	v34 =	vadd.s32 s6, v17;
	v40 =	vadd.s32 s6, v18;
	v41 =	vadd.s32 s6, v21;
	v37 =	vld.idx.msk [tilespmem:v42+s20+$0x0], $0xffff  }
.LBB2_3:
0x72: {  	p1 =	sne.s32 s16, $0xF  }
0x73: {  	v38 =	vld.idx.msk [tilespmem:v38+s20+$0x0], $0xffff;
	s10 =	sadd.s32 $0x210, s10;
	s7 =	smov.u32 s16;
	s16 =	sadd.s32 $0x1, s16  }
0x74: {  	v36 =	vld.idx.msk [tilespmem:v36+s20+$0x0], $0xffff  }
0x75: {  	v39 =	vld.idx.msk [tilespmem:v39+s20+$0x0], $0xffff  }
0x76: {  	v40 =	vld.idx.msk [tilespmem:v40+s20+$0x0], $0xffff  }
0x77: {  	v41 =	vld.idx.msk [tilespmem:v41+s20+$0x0], $0xffff  }
0x78: {  	v34 =	vld.idx.msk [tilespmem:v34+s20+$0x0], $0xffff  }
0x79: {  	[tilespmem:s13+$0x70] =	vst v37  }
0x7a: {  	[tilespmem:s13+$0x60] =	vst v35  }
0x7b: {  	[tilespmem:s13+$0x20] =	vst v36  }
0x7c: {  	v35 =	vadd.s32 s6, v29;
	[tilespmem:s13+$0x50] =	vst v39  }
0x7d: {  	v36 =	vadd.s32 s6, v30;
	[tilespmem:s13+$0x30] =	vst v38  }
0x7e: {  	[tilespmem:s13+$0x0] =	vst v34;
	v34 =	vadd.s32 s6, v28  }
0x7f: {  	v37 =	vadd.s32 s6, v27;
	[tilespmem:s13+$0x10] =	vst v40  }
0x80: {  	v38 =	vadd.s32 s6, v31;
	[tilespmem:s13+$0x40] =	vst v41  }
0x81: {  	v39 =	vadd.s32 s6, v25;
	v35 =	vld.idx.msk [tilespmem:v35+s20+$0x0], $0xffff  }
0x82: {  	v40 =	vadd.s32 s6, v32;
	v36 =	vld.idx.msk [tilespmem:v36+s20+$0x0], $0xffff  }
0x83: {  	v41 =	vadd.s32 s6, v26;
	v34 =	vld.idx.msk [tilespmem:v34+s20+$0x0], $0xffff  }
0x84: {  	v37 =	vld.idx.msk [tilespmem:v37+s20+$0x0], $0xffff  }
0x85: {  	v38 =	vld.idx.msk [tilespmem:v38+s20+$0x0], $0xffff  }
0x86: {  	v39 =	vld.idx.msk [tilespmem:v39+s20+$0x0], $0xffff  }
0x87: {  	v40 =	vld.idx.msk [tilespmem:v40+s20+$0x0], $0xffff  }
0x88: {  	v41 =	vld.idx.msk [tilespmem:v41+s20+$0x0], $0xffff  }
0x89: {  	[tilespmem:s13+$0xB0] =	vst v34  }
0x8a: {  	[tilespmem:s13+$0xA0] =	vst v37  }
0x8b: {  	[tilespmem:s13+$0xE0] =	vst v38  }
0x8c: {  	[tilespmem:s13+$0x80] =	vst v39  }
0x8d: {  	v34 =	vadd.s32 s6, v33;
	[tilespmem:s13+$0xF0] =	vst v40  }
0x8e: {  	[tilespmem:s13+$0xC0] =	vst v35  }
0x8f: {  	[tilespmem:s13+$0x90] =	vst v41;
	_ =	sdelay $0x2  }
0x90: {  	[tilespmem:s13+$0xD0] =	vst v36  }
0x91: {  	v35 =	vld.idx.msk [tilespmem:v34+s20+$0x0], $0xffff  }
0x92: {  	s6 =	sshll.u32 s7, $0xA  }
0x93: {  	v37 =	vadd.s32 s6, v2;
	v38 =	vadd.s32 s6, v8;
	v36 =	vadd.s32 s6, v1  }
0x94: {  	v39 =	vadd.s32 s6, v3;
	v40 =	vadd.s32 s6, v4;
	v41 =	vadd.s32 s6, v7  }
0x95: {  	v42 =	vadd.s32 s6, v5;
	v43 =	vadd.s32 s6, v6;
	v34 =	vadd.s32 s6, v17;
	_ =	sdelay $0x1  }
0x96: {  	[tilespmem:s13+$0x100] =	vst v35;
	s13 =	smov.u32 s10  }
0x97: {  	v35 =	vld.idx.msk [tilespmem:v36+s20+$0x0], $0xffff  }
0x98: {  	v36 =	vld.idx.msk [tilespmem:v38+s20+$0x0], $0xffff  }
0x99: {  	v38 =	vld.idx.msk [tilespmem:v41+s20+$0x0], $0xffff  }
0x9a: {  	v37 =	vld.idx.msk [tilespmem:v37+s20+$0x0], $0xffff  }
0x9b: {  	v41 =	vld.idx.msk [tilespmem:v43+s20+$0x0], $0xffff  }
0x9c: {  	v42 =	vld.idx.msk [tilespmem:v42+s20+$0x0], $0xffff  }
0x9d: {  	v40 =	vld.idx.msk [tilespmem:v40+s20+$0x0], $0xffff  }
0x9e: {  	v39 =	vld.idx.msk [tilespmem:v39+s20+$0x0], $0xffff  }
0x9f: {  	[tilespmem:s10+$0xFFFFFF00] =	vst v35  }
0xa0: {  	[tilespmem:s10+$0xFFFFFF10] =	vst v37  }
0xa1: {  	[tilespmem:s10+$0xFFFFFF50] =	vst v41  }
0xa2: {  	v35 =	vadd.s32 s6, v14;
	[tilespmem:s10+$0xFFFFFF60] =	vst v38  }
0xa3: {  	v37 =	vadd.s32 s6, v13;
	[tilespmem:s10+$0xFFFFFF40] =	vst v42  }
0xa4: {  	v38 =	vadd.s32 s6, v16;
	[tilespmem:s10+$0xFFFFFF20] =	vst v39  }
0xa5: {  	[tilespmem:s10+$0xFFFFFF70] =	vst v36;
	v36 =	vadd.s32 s6, v12  }
0xa6: {  	v39 =	vadd.s32 s6, v11;
	[tilespmem:s10+$0xFFFFFF30] =	vst v40  }
0xa7: {  	v40 =	vadd.s32 s6, v15;
	v35 =	vld.idx.msk [tilespmem:v35+s20+$0x0], $0xffff  }
0xa8: {  	v41 =	vadd.s32 s6, v9;
	v37 =	vld.idx.msk [tilespmem:v37+s20+$0x0], $0xffff  }
0xa9: {  	v42 =	vadd.s32 s6, v10;
	v43 =	vld.idx.msk [tilespmem:v38+s20+$0x0], $0xffff  }
0xaa: {  	v36 =	vld.idx.msk [tilespmem:v36+s20+$0x0], $0xffff  }
0xab: {  	v38 =	vld.idx.msk [tilespmem:v39+s20+$0x0], $0xffff  }
0xac: {  	v39 =	vld.idx.msk [tilespmem:v40+s20+$0x0], $0xffff  }
0xad: {  	v40 =	vld.idx.msk [tilespmem:v41+s20+$0x0], $0xffff  }
0xae: {  	v41 =	vld.idx.msk [tilespmem:v42+s20+$0x0], $0xffff  }
0xaf: {  	[tilespmem:s10+$0xFFFFFFC0] =	vst v37  }
0xb0: {  	[tilespmem:s10+$0xFFFFFFB0] =	vst v36  }
0xb1: {  	[tilespmem:s10+$0xFFFFFFA0] =	vst v38  }
0xb2: {  	[tilespmem:s10+$0xFFFFFFD0] =	vst v35;
	v35 =	vadd.s32 s6, v23  }
0xb3: {  	v37 =	vadd.s32 s6, v24;
	[tilespmem:s10+$0xFFFFFFE0] =	vst v39  }
.Ltmp2:
0xb4: {  	v38 =	vadd.s32 s6, v20;
	[tilespmem:s10+$0xFFFFFF90] =	vst v41;
	(pc) =	sbr.rel @p1 .LBB2_3-.Ltmp2, $4  }
0xb5: {  	v36 =	vadd.s32 s6, v19;
	[tilespmem:s10+$0xFFFFFFF0] =	vst v43  }
0xb6: {  	v39 =	vadd.s32 s6, v22;
	[tilespmem:s10+$0xFFFFFF80] =	vst v40  }
0xb7: {  	v40 =	vadd.s32 s6, v18;
	v35 =	vld.idx.msk [tilespmem:v35+s20+$0x0], $0xffff  }
0xb8: {  	v41 =	vadd.s32 s6, v21;
	v37 =	vld.idx.msk [tilespmem:v37+s20+$0x0], $0xffff  }
0xb9: {  	_ =	sdelay $0x3  }
0xba: {  	v38 =	vld.idx.msk [tilespmem:v38+s20+$0x0], $0xffff  }
0xbb: {  	v36 =	vld.idx.msk [tilespmem:v36+s20+$0x0], $0xffff  }
0xbc: {  	v39 =	vld.idx.msk [tilespmem:v39+s20+$0x0], $0xffff  }
0xbd: {  	v40 =	vld.idx.msk [tilespmem:v40+s20+$0x0], $0xffff  }
0xbe: {  	v41 =	vld.idx.msk [tilespmem:v41+s20+$0x0], $0xffff  }
0xbf: {  	v34 =	vld.idx.msk [tilespmem:v34+s20+$0x0], $0xffff;
	[tilespmem:s13+$0x60] =	vst v35  }
0xc0: {  	[tilespmem:s13+$0x70] =	vst v37  }
0xc1: {  	[tilespmem:s13+$0x20] =	vst v36  }
0xc2: {  	v57 =	vadd.s32 s6, v29;
	[tilespmem:s13+$0x50] =	vst v39  }
0xc3: {  	v58 =	vadd.s32 s6, v30;
	[tilespmem:s13+$0x30] =	vst v38  }
0xc4: {  	v59 =	vadd.s32 s6, v28;
	[tilespmem:s13+$0x0] =	vst v34  }
0xc5: {  	v60 =	vadd.s32 s6, v27;
	[tilespmem:s13+$0x10] =	vst v40  }
0xc6: {  	v61 =	vadd.s32 s6, v31;
	[tilespmem:s13+$0x40] =	vst v41  }
0xc7: {  	v62 =	vadd.s32 s6, v25;
	v35 =	vld.idx.msk [tilespmem:v57+s20+$0x0], $0xffff  }
0xc8: {  	v63 =	vadd.s32 s6, v32;
	v36 =	vld.idx.msk [tilespmem:v58+s20+$0x0], $0xffff  }
0xc9: {  	v44 =	vadd.s32 s6, v26;
	v34 =	vld.idx.msk [tilespmem:v59+s20+$0x0], $0xffff  }
0xca: {  	v37 =	vld.idx.msk [tilespmem:v60+s20+$0x0], $0xffff  }
0xcb: {  	v38 =	vld.idx.msk [tilespmem:v61+s20+$0x0], $0xffff  }
0xcc: {  	v39 =	vld.idx.msk [tilespmem:v62+s20+$0x0], $0xffff  }
0xcd: {  	v40 =	vld.idx.msk [tilespmem:v63+s20+$0x0], $0xffff  }
0xce: {  	v41 =	vld.idx.msk [tilespmem:v44+s20+$0x0], $0xffff;
	[tilespmem:s13+$0xB0] =	vst v34  }
0xcf: {  	[tilespmem:s13+$0xA0] =	vst v37  }
0xd0: {  	[tilespmem:s13+$0xE0] =	vst v38  }
0xd1: {  	v45 =	vadd.s32 s6, v33;
	[tilespmem:s13+$0x80] =	vst v39  }
0xd2: {  	[tilespmem:s13+$0xF0] =	vst v40  }
0xd3: {  	[tilespmem:s13+$0xC0] =	vst v35  }
0xd4: {  	[tilespmem:s13+$0x90] =	vst v41  }
0xd5: {  	[tilespmem:s13+$0xD0] =	vst v36  }
0xd6: {  	v34 =	vld.idx.msk [tilespmem:v45+s20+$0x0], $0xffff;
	_ =	sdelay $0x1  }
0xd7: {  	p1 =	seq.s32 s0, $0x3F  }
0xd8: {  	s6 =	sadd.s32 @!p1 s2, s11  }
0xd9: {  	s6 =	sshll.u32 @!p1 s6, $0x7  }
0xda: {  	s7 =	sshrl.u32 @!p1 s8, $0x3;
	s6 =	sadd.s32 @!p1 s4, s6;
	[tilespmem:s13+$0x100] =	vst v34  }
0xdb: {  	[hbm4b:s1+s21] =	stream.indirect.scatter [tilespmem:s23], [sflag:$0x3], $0x210, s22, s21, $0xb8;
	[tilespmem:$0x14430] =	vst v63  }
0xdc: {  	[spmem:s7], [sflag:s15] =	dma.local @!p1 [hbm:s6], $0x800  }
0xdd: {  	_ =	swait.ge [sflag:s24], $0x800  }
0xde: {  	[sflag:s24] =	ssyncset.done $0x0  }
0xdf: {  	[sflag:s24] =	ssyncadd.s32 $0xFFFFF800  }
0xe0: {  	[tilespmem:s25], [sflag:$0x5] =	stream.linear.gather [spmem:s9], $0x4000, $0x38;
	[tilespmem:$0x14430] =	vst v63  }
0xe1: {  	_ =	swait.ge [sflag:s14], $0x4000  }
0xe2: {  	s6 =	simm.s32 $0x0;
	[sflag:s14] =	ssyncset.done $0x0  }
0xe3: {  	s7 =	simm.s32 @!p0 $0x4;
	v46 =	vadd.s32 s6, v1;
	[sflag:s14] =	ssyncadd.s32 $0xFFFFC000  }
0xe4: {  	v47 =	vadd.s32 s6, v8;
	_ =	swait.ge @!p0 [sflag:s7], $0x2100  }
0xe5: {  	s3 =	sor.u32 $0x10, s3;
	v48 =	vadd.s32 s6, v7;
	[sflag:s7] =	ssyncset.done @!p0 $0x0  }
0xe6: {  	v49 =	vor.u32 s3, v0;
	v50 =	vadd.s32 s6, v2;
	[sflag:s7] =	ssyncadd.s32 @!p0 $0xFFFFDF00  }
0xe7: {  	v51 =	vadd.s32 s6, v6;
	[tilespmem:$0xC420] =	vst v49  }
0xe8: {  	v52 =	vadd.s32 s6, v5;
	v34 =	vld.idx.msk [tilespmem:v46+s25+$0x0], $0xffff  }
0xe9: {  	v53 =	vadd.s32 s6, v4;
	v35 =	vld.idx.msk [tilespmem:v47+s25+$0x0], $0xffff  }
0xea: {  	v54 =	vadd.s32 s6, v3;
	v36 =	vld.idx.msk [tilespmem:v48+s25+$0x0], $0xffff  }
0xeb: {  	v38 =	vld.idx.msk [tilespmem:v50+s25+$0x0], $0xffff  }
0xec: {  	v37 =	vld.idx.msk [tilespmem:v51+s25+$0x0], $0xffff  }
0xed: {  	v39 =	vld.idx.msk [tilespmem:v52+s25+$0x0], $0xffff  }
0xee: {  	s3 =	simm.s32 $0xA410;
	v40 =	vld.idx.msk [tilespmem:v53+s25+$0x0], $0xffff  }
0xef: {  	v41 =	vld.idx.msk [tilespmem:v54+s25+$0x0], $0xffff;
	[tilespmem:s3+$0xFFFFFF00] =	vst v34  }
0xf0: {  	[tilespmem:s3+$0xFFFFFF10] =	vst v38  }
0xf1: {  	[tilespmem:s3+$0xFFFFFF50] =	vst v37  }
0xf2: {  	v55 =	vadd.s32 s6, v14;
	[tilespmem:s3+$0xFFFFFF60] =	vst v36  }
0xf3: {  	v56 =	vadd.s32 s6, v13;
	[tilespmem:s3+$0xFFFFFF40] =	vst v39  }
0xf4: {  	v57 =	vadd.s32 s6, v16;
	[tilespmem:s3+$0xFFFFFF20] =	vst v41  }
0xf5: {  	v58 =	vadd.s32 s6, v12;
	[tilespmem:s3+$0xFFFFFF70] =	vst v35  }
0xf6: {  	v59 =	vadd.s32 s6, v11;
	[tilespmem:s3+$0xFFFFFF30] =	vst v40  }
0xf7: {  	v60 =	vadd.s32 s6, v15;
	v34 =	vld.idx.msk [tilespmem:v55+s25+$0x0], $0xffff  }
0xf8: {  	v61 =	vadd.s32 s6, v9;
	v36 =	vld.idx.msk [tilespmem:v56+s25+$0x0], $0xffff  }
0xf9: {  	v62 =	vadd.s32 s6, v10;
	v37 =	vld.idx.msk [tilespmem:v57+s25+$0x0], $0xffff  }
0xfa: {  	v35 =	vld.idx.msk [tilespmem:v58+s25+$0x0], $0xffff  }
0xfb: {  	v38 =	vld.idx.msk [tilespmem:v59+s25+$0x0], $0xffff  }
0xfc: {  	v39 =	vld.idx.msk [tilespmem:v60+s25+$0x0], $0xffff  }
0xfd: {  	v40 =	vld.idx.msk [tilespmem:v61+s25+$0x0], $0xffff  }
0xfe: {  	v41 =	vld.idx.msk [tilespmem:v62+s25+$0x0], $0xffff;
	[tilespmem:s3+$0xFFFFFFC0] =	vst v36  }
0xff: {  	[tilespmem:s3+$0xFFFFFFB0] =	vst v35  }
0x100: {  	[tilespmem:s3+$0xFFFFFFA0] =	vst v38  }
0x101: {  	v63 =	vadd.s32 s6, v23;
	[tilespmem:s3+$0xFFFFFFD0] =	vst v34  }
0x102: {  	v42 =	vadd.s32 s6, v24;
	[tilespmem:s3+$0xFFFFFFE0] =	vst v39  }
0x103: {  	[tilespmem:s3+$0xFFFFFF90] =	vst v41  }
0x104: {  	[tilespmem:s3+$0xFFFFFFF0] =	vst v37;
	v38 =	vadd.s32 s6, v20  }
0x105: {  	[tilespmem:s3+$0xFFFFFF80] =	vst v40;
	v36 =	vadd.s32 s6, v19  }
0x106: {  	v39 =	vadd.s32 s6, v22;
	v35 =	vld.idx.msk [tilespmem:v63+s25+$0x0], $0xffff  }
0x107: {  	s10 =	simm.s32 $0xA410;
	s13 =	simm.s32 $0x1;
	v34 =	vadd.s32 s6, v17;
	v40 =	vadd.s32 s6, v18;
	v41 =	vadd.s32 s6, v21;
	v37 =	vld.idx.msk [tilespmem:v42+s25+$0x0], $0xffff  }
.LBB2_5:
0x108: {  	p0 =	sne.s32 s13, $0xF  }
0x109: {  	v38 =	vld.idx.msk [tilespmem:v38+s25+$0x0], $0xffff;
	s3 =	sadd.s32 $0x210, s3;
	s7 =	smov.u32 s13;
	s13 =	sadd.s32 $0x1, s13  }
0x10a: {  	v36 =	vld.idx.msk [tilespmem:v36+s25+$0x0], $0xffff  }
0x10b: {  	v39 =	vld.idx.msk [tilespmem:v39+s25+$0x0], $0xffff  }
0x10c: {  	v40 =	vld.idx.msk [tilespmem:v40+s25+$0x0], $0xffff  }
0x10d: {  	v41 =	vld.idx.msk [tilespmem:v41+s25+$0x0], $0xffff  }
0x10e: {  	v34 =	vld.idx.msk [tilespmem:v34+s25+$0x0], $0xffff  }
0x10f: {  	[tilespmem:s10+$0x70] =	vst v37  }
0x110: {  	[tilespmem:s10+$0x60] =	vst v35  }
0x111: {  	[tilespmem:s10+$0x20] =	vst v36  }
0x112: {  	v35 =	vadd.s32 s6, v29;
	[tilespmem:s10+$0x50] =	vst v39  }
0x113: {  	v36 =	vadd.s32 s6, v30;
	[tilespmem:s10+$0x30] =	vst v38  }
0x114: {  	[tilespmem:s10+$0x0] =	vst v34;
	v34 =	vadd.s32 s6, v28  }
0x115: {  	v37 =	vadd.s32 s6, v27;
	[tilespmem:s10+$0x10] =	vst v40  }
0x116: {  	v38 =	vadd.s32 s6, v31;
	[tilespmem:s10+$0x40] =	vst v41  }
0x117: {  	v39 =	vadd.s32 s6, v25;
	v35 =	vld.idx.msk [tilespmem:v35+s25+$0x0], $0xffff  }
0x118: {  	v40 =	vadd.s32 s6, v32;
	v36 =	vld.idx.msk [tilespmem:v36+s25+$0x0], $0xffff  }
0x119: {  	v41 =	vadd.s32 s6, v26;
	v34 =	vld.idx.msk [tilespmem:v34+s25+$0x0], $0xffff  }
0x11a: {  	v37 =	vld.idx.msk [tilespmem:v37+s25+$0x0], $0xffff  }
0x11b: {  	v38 =	vld.idx.msk [tilespmem:v38+s25+$0x0], $0xffff  }
0x11c: {  	v39 =	vld.idx.msk [tilespmem:v39+s25+$0x0], $0xffff  }
0x11d: {  	v40 =	vld.idx.msk [tilespmem:v40+s25+$0x0], $0xffff  }
0x11e: {  	v41 =	vld.idx.msk [tilespmem:v41+s25+$0x0], $0xffff  }
0x11f: {  	[tilespmem:s10+$0xB0] =	vst v34  }
0x120: {  	[tilespmem:s10+$0xA0] =	vst v37  }
0x121: {  	[tilespmem:s10+$0xE0] =	vst v38  }
0x122: {  	[tilespmem:s10+$0x80] =	vst v39  }
0x123: {  	v34 =	vadd.s32 s6, v33;
	[tilespmem:s10+$0xF0] =	vst v40  }
0x124: {  	[tilespmem:s10+$0xC0] =	vst v35  }
0x125: {  	[tilespmem:s10+$0x90] =	vst v41;
	_ =	sdelay $0x2  }
0x126: {  	[tilespmem:s10+$0xD0] =	vst v36  }
0x127: {  	v35 =	vld.idx.msk [tilespmem:v34+s25+$0x0], $0xffff  }
0x128: {  	s6 =	sshll.u32 s7, $0xA  }
0x129: {  	v37 =	vadd.s32 s6, v2;
	v38 =	vadd.s32 s6, v8;
	v36 =	vadd.s32 s6, v1  }
0x12a: {  	v39 =	vadd.s32 s6, v3;
	v40 =	vadd.s32 s6, v4;
	v41 =	vadd.s32 s6, v7  }
0x12b: {  	v42 =	vadd.s32 s6, v5;
	v43 =	vadd.s32 s6, v6;
	v34 =	vadd.s32 s6, v17;
	_ =	sdelay $0x1  }
0x12c: {  	[tilespmem:s10+$0x100] =	vst v35;
	s10 =	smov.u32 s3  }
0x12d: {  	v35 =	vld.idx.msk [tilespmem:v36+s25+$0x0], $0xffff  }
0x12e: {  	v36 =	vld.idx.msk [tilespmem:v38+s25+$0x0], $0xffff  }
0x12f: {  	v38 =	vld.idx.msk [tilespmem:v41+s25+$0x0], $0xffff  }
0x130: {  	v37 =	vld.idx.msk [tilespmem:v37+s25+$0x0], $0xffff  }
0x131: {  	v41 =	vld.idx.msk [tilespmem:v43+s25+$0x0], $0xffff  }
0x132: {  	v42 =	vld.idx.msk [tilespmem:v42+s25+$0x0], $0xffff  }
0x133: {  	v40 =	vld.idx.msk [tilespmem:v40+s25+$0x0], $0xffff  }
0x134: {  	v39 =	vld.idx.msk [tilespmem:v39+s25+$0x0], $0xffff  }
0x135: {  	[tilespmem:s3+$0xFFFFFF00] =	vst v35  }
0x136: {  	[tilespmem:s3+$0xFFFFFF10] =	vst v37  }
0x137: {  	[tilespmem:s3+$0xFFFFFF50] =	vst v41  }
0x138: {  	v35 =	vadd.s32 s6, v14;
	[tilespmem:s3+$0xFFFFFF60] =	vst v38  }
0x139: {  	v37 =	vadd.s32 s6, v13;
	[tilespmem:s3+$0xFFFFFF40] =	vst v42  }
0x13a: {  	v38 =	vadd.s32 s6, v16;
	[tilespmem:s3+$0xFFFFFF20] =	vst v39  }
0x13b: {  	[tilespmem:s3+$0xFFFFFF70] =	vst v36;
	v36 =	vadd.s32 s6, v12  }
0x13c: {  	v39 =	vadd.s32 s6, v11;
	[tilespmem:s3+$0xFFFFFF30] =	vst v40  }
0x13d: {  	v40 =	vadd.s32 s6, v15;
	v35 =	vld.idx.msk [tilespmem:v35+s25+$0x0], $0xffff  }
0x13e: {  	v41 =	vadd.s32 s6, v9;
	v37 =	vld.idx.msk [tilespmem:v37+s25+$0x0], $0xffff  }
0x13f: {  	v42 =	vadd.s32 s6, v10;
	v43 =	vld.idx.msk [tilespmem:v38+s25+$0x0], $0xffff  }
0x140: {  	v36 =	vld.idx.msk [tilespmem:v36+s25+$0x0], $0xffff  }
0x141: {  	v38 =	vld.idx.msk [tilespmem:v39+s25+$0x0], $0xffff  }
0x142: {  	v39 =	vld.idx.msk [tilespmem:v40+s25+$0x0], $0xffff  }
0x143: {  	v40 =	vld.idx.msk [tilespmem:v41+s25+$0x0], $0xffff  }
0x144: {  	v41 =	vld.idx.msk [tilespmem:v42+s25+$0x0], $0xffff  }
0x145: {  	[tilespmem:s3+$0xFFFFFFC0] =	vst v37  }
0x146: {  	[tilespmem:s3+$0xFFFFFFB0] =	vst v36  }
0x147: {  	[tilespmem:s3+$0xFFFFFFA0] =	vst v38  }
0x148: {  	[tilespmem:s3+$0xFFFFFFD0] =	vst v35;
	v35 =	vadd.s32 s6, v23  }
0x149: {  	v37 =	vadd.s32 s6, v24;
	[tilespmem:s3+$0xFFFFFFE0] =	vst v39  }
.Ltmp3:
0x14a: {  	v38 =	vadd.s32 s6, v20;
	[tilespmem:s3+$0xFFFFFF90] =	vst v41;
	(pc) =	sbr.rel @p0 .LBB2_5-.Ltmp3, $4  }
0x14b: {  	v36 =	vadd.s32 s6, v19;
	[tilespmem:s3+$0xFFFFFFF0] =	vst v43  }
0x14c: {  	v39 =	vadd.s32 s6, v22;
	[tilespmem:s3+$0xFFFFFF80] =	vst v40  }
0x14d: {  	v40 =	vadd.s32 s6, v18;
	v35 =	vld.idx.msk [tilespmem:v35+s25+$0x0], $0xffff  }
0x14e: {  	v41 =	vadd.s32 s6, v21;
	v37 =	vld.idx.msk [tilespmem:v37+s25+$0x0], $0xffff  }
0x14f: {  	_ =	sdelay $0x3  }
0x150: {  	v38 =	vld.idx.msk [tilespmem:v38+s25+$0x0], $0xffff  }
0x151: {  	v36 =	vld.idx.msk [tilespmem:v36+s25+$0x0], $0xffff  }
0x152: {  	v39 =	vld.idx.msk [tilespmem:v39+s25+$0x0], $0xffff  }
0x153: {  	v40 =	vld.idx.msk [tilespmem:v40+s25+$0x0], $0xffff  }
0x154: {  	v41 =	vld.idx.msk [tilespmem:v41+s25+$0x0], $0xffff  }
0x155: {  	v34 =	vld.idx.msk [tilespmem:v34+s25+$0x0], $0xffff;
	[tilespmem:s10+$0x60] =	vst v35  }
0x156: {  	[tilespmem:s10+$0x70] =	vst v37  }
0x157: {  	[tilespmem:s10+$0x20] =	vst v36  }
0x158: {  	v55 =	vadd.s32 s6, v29;
	[tilespmem:s10+$0x50] =	vst v39  }
0x159: {  	v56 =	vadd.s32 s6, v30;
	[tilespmem:s10+$0x30] =	vst v38  }
0x15a: {  	v57 =	vadd.s32 s6, v28;
	[tilespmem:s10+$0x0] =	vst v34  }
0x15b: {  	v58 =	vadd.s32 s6, v27;
	[tilespmem:s10+$0x10] =	vst v40  }
0x15c: {  	v59 =	vadd.s32 s6, v31;
	[tilespmem:s10+$0x40] =	vst v41  }
0x15d: {  	v60 =	vadd.s32 s6, v25;
	v35 =	vld.idx.msk [tilespmem:v55+s25+$0x0], $0xffff  }
0x15e: {  	v61 =	vadd.s32 s6, v32;
	v36 =	vld.idx.msk [tilespmem:v56+s25+$0x0], $0xffff  }
0x15f: {  	v62 =	vadd.s32 s6, v26;
	v34 =	vld.idx.msk [tilespmem:v57+s25+$0x0], $0xffff  }
0x160: {  	v37 =	vld.idx.msk [tilespmem:v58+s25+$0x0], $0xffff  }
0x161: {  	v38 =	vld.idx.msk [tilespmem:v59+s25+$0x0], $0xffff  }
0x162: {  	v39 =	vld.idx.msk [tilespmem:v60+s25+$0x0], $0xffff  }
0x163: {  	v40 =	vld.idx.msk [tilespmem:v61+s25+$0x0], $0xffff  }
0x164: {  	v41 =	vld.idx.msk [tilespmem:v62+s25+$0x0], $0xffff;
	[tilespmem:s10+$0xB0] =	vst v34  }
0x165: {  	[tilespmem:s10+$0xA0] =	vst v37  }
0x166: {  	[tilespmem:s10+$0xE0] =	vst v38  }
0x167: {  	v63 =	vadd.s32 s6, v33;
	[tilespmem:s10+$0x80] =	vst v39  }
0x168: {  	[tilespmem:s10+$0xF0] =	vst v40  }
0x169: {  	[tilespmem:s10+$0xC0] =	vst v35  }
0x16a: {  	[tilespmem:s10+$0x90] =	vst v41  }
0x16b: {  	[tilespmem:s10+$0xD0] =	vst v36  }
0x16c: {  	v34 =	vld.idx.msk [tilespmem:v63+s25+$0x0], $0xffff;
	_ =	sdelay $0x1  }
.Ltmp4:
0x16d: {  	_ = 	snop;
	(pc) =	sbr.rel @p1 .LBB2_8-.Ltmp4, $3  }
0x16e: {  	_ =	sdelay $0x1  }
0x16f: {  	[tilespmem:s10+$0x100] =	vst v34  }
0x170: {  	[hbm4b:s1+s21] =	stream.indirect.scatter [tilespmem:s28], [sflag:$0x4], $0x210, s26, s21, $0xb8;
	[tilespmem:$0x14430] =	vst v63  }
.Ltmp5:
0x171: {  	(pc) =	sbr.rel .LBB2_2-.Ltmp5, $4  }
0x172: {  	s2 =	sadd.s32 s2, s12  }
0x173: {  	s2 =	sshll.u32 s2, $0x7  }
0x174: {  	s0 =	sadd.s32 $0x1, s0;
	s2 =	sadd.s32 s4, s2  }
0x175: {  	[spmem:s18], [sflag:s17] =	dma.local [hbm:s2], $0x800  }
.LBB2_9:
0x176: {  	_ =	sfence.sel $0x180000  }
0x177: {  	[bflag:$0x0] =	sbarrier.arrive $0xFFFF  }
0x178: {  	_ =	strace $0x90000047  }
0x179: {  	s0 =	stileid.u32;
	[bflag:$0x2] =	sbarrier.arrive $0xFFFF  }
0x17a: {  	p0 =	sne.s32 s0, $0x0;
	s0 =	rddreg [dreg:$0x4]  }
0x17b: {  	s0 =	sadd.s32 @!p0 $0x100000, s0  }
0x17c: {  	[sflag:s0] =	ssyncadd.tile.s32 @!p0 $0x1;
	_ =	shalt  }
.Lfunc_end2:
_tile_overlayer_lowered:
.L_overlay_start_2:
0x17d: {  	(tag) =	ssettag $0x2  }
0x17e: {  	s0 =	rddreg [dreg:$0x0];
	s2 =	stileid.u32  }
0x17f: {  	s1 =	rddreg [dreg:$0x1];
	p0 =	sne.s32 s2, $0x0  }
0x180: {  	s3 =	rddreg [dreg:$0x2];
	[bflag:$0x3] =	sbarrier.arrive $0xFFFF;
	s2 =	simm.s32 @!p0 $0x1C05  }
0x181: {  	[timem:s3], [sflag:s2] =	dma.local @!p0 [hbm:s0], s1  }
0x182: {  	s0 =	simm.s32 @!p0 $0x5  }
0x183: {  	_ =	swait.ge @!p0 [sflag:s0], s1  }
0x184: {  	s1 =	ssub.s32 @!p0 $0x0, s1;
	[sflag:s0] =	ssyncset.done @!p0 $0x0  }
0x185: {  	[sflag:s0] =	ssyncadd.s32 @!p0 s1  }
0x186: {  	[bflag:$0x3] =	sbarrier.arrive $0xFFFF  }
0x187: {  	_ =	shalt  }

// kernel: sparse-core-data-format-call.cloned.1.call-start
scs
called_computation_lowered:
.L_overlay_start_0:
0x0: {  	s2 =	sld [smem:$0x3FD9]  }
0x1: {  	s3 =	sld [smem:$0x3FFE];
	_ =	sdelay $0x1  }
0x2: {  	s1 =	srdreg.scid  }
0x3: {  	s0 =	sand.u32 $0x1, s1  }
0x4: {  	s18 =	sshll.u32 s0, $0xA;
	s2 =	sadd.s32 s3, s2  }
0x5: {  	s2 =	sadd.s32 s2, s18  }
0x6: {  	[smem:$0x3FC7] =	sst s2  }
0x7: {  	_ = 	snop  }
0x8: {  	s2 =	sld [smem:$0x3FD0];
	(tm) =	ssettm $0x1  }
0x9: {  	s19 =	sld [smem:$0x3FFB];
	_ =	sdelay $0x3  }
0xa: {  	_ =	strace s19  }
0xb: {  	s3 =	sld [smem:$0x3FFC];
	_ =	sdelay $0x3  }
0xc: {  	_ =	strace s3  }
0xd: {  	s3 =	sld [smem:$0x3FFD];
	_ =	sdelay $0x3  }
0xe: {  	_ =	strace s3  }
0xf: {  	_ =	strace $0x8FFFFFFF  }
0x10: {  	s20 =	sld [smem:$0x3FDB];
	_ =	sdelay $0x1  }
0x11: {  	s4 =	simm.s32 $_scs_section_size  }
0x12: {  	s5 =	simm.s32 $_size__tile_overlayer_lowered;
	s6 =	simm.s32 $_tile_overlayer_lowered  }
0x13: {  	s23 =	simm.s32 $0x1BFF;
	s22 =	sshll.u32 s6, $0x1;
	s3 =	sadd.s32 s4, s20  }
0x14: {  	s7 =	simm.s32 $0x0;
	s21 =	sshll.u32 s5, $0x1;
	s5 =	sadd.s32 s22, s3  }
0x15: {  	[timem:s7], [sflag:s23] =	dma.local [hbm:s5], s21  }
0x16: {  	_ =	swait.ge [sflag:s23], s21  }
0x17: {  	s4 =	ssub.s32 $0x0, s21;
	[sflag:s23] =	ssyncset.done $0x0  }
0x18: {  	[sflag:s23] =	ssyncadd.s32 s4;
	_ =	sdelay $0x1  }
0x19: {  	s24 =	simm.s32 $0x1B8B  }
0x1a: {  	_ =	swait.ge [sflag:s24], $0x1  }
0x1b: {  	[sflag:s24] =	ssyncset.done $0x0  }
0x1c: {  	s26 =	simm.s32 $0x1B8E;
	s25 =	sld [smem:$0x3FFE];
	[sflag:s24] =	ssyncadd.s32 $0xFFFFFFFF  }
0x1d: {  	s27 =	simm.s32 $execute0_lowered;
	[smem:$0x3FD2] =	sst s26  }
0x1e: {  	s5 =	sshll.u32 s27, $0x1;
	_ =	strace $0x80000049;
	[dreg:$0x1] =	wrdreg $0xFFFFFFFF  }
0x1f: {  	s28 =	simm.s32 $_size_execute0_lowered;
	s3 =	sadd.s32 s3, s5;
	[dreg:$0x0] =	wrdreg $0x0  }
0x20: {  	s5 =	sshll.u32 s28, $0x1;
	[dreg:$0x2] =	wrdreg s3  }
0x21: {  	[dreg:$0x3] =	wrdreg s5  }
0x22: {  	[dreg:$0x4] =	wrdreg $0xC0  }
0x23: {  	_ =	task [dreg:s7], $0x5FFFF  }
0x24: {  	[dreg:$0x1] =	wrdreg $0xFFFFFFFF  }
0x25: {  	[dreg:$0x0] =	wrdreg $0x60  }
0x26: {  	[dreg:$0x2] =	wrdreg s25  }
0x27: {  	[dreg:$0x3] =	wrdreg s2  }
0x28: {  	[dreg:$0x4] =	wrdreg $0x9  }
0x29: {  	_ =	task.clear_ibuf [dreg:s7], $0x5FFFF;
	_ =	strace $0x90000049  }
0x2a: {  	s29 =	simm.s32 $0x9;
	_ =	strace $0x8000004B  }
0x2b: {  	_ =	swait.ge [sflag:s29], $0x1  }
0x2c: {  	[sflag:s29] =	ssyncadd.s32 $0xFFFFFFFF  }
0x2d: {  	_ =	strace $0x9000004B  }
0x2e: {  	_ =	sfence  }
0x2f: {  	s30 =	sld [smem:$0x0];
	_ =	sdelay $0x2  }
0x30: {  	s31 =	sshll.u32 s1, $0xD;
	s1 =	sshrl.u32 s1, $0x2  }
0x31: {  	s3 =	sand.u32 $0x4000, s31;
	s1 =	sadd.s32 s1, s30  }
0x32: {  	s0 =	sor.u32 s3, s0;
	s1 =	sshll.u32 s1, $0x11  }
0x33: {  	s0 =	sor.u32 s1, s0  }
0x34: {  	s0 =	sadd.s32 $0x8F2B, s0  }
0x35: {  	[sflag:s0] =	ssyncadd.remote.s32 $0x1  }
0x36: {  	_ =	sfence.sel $0xFFFF  }
0x37: {  	[dreg:$0x0] =	wrdreg $0xFFFFFFFF;
	(pc) =	sbr.abs _section_cstart, $3  }
0x38: {  	[dreg:$0x1] =	wrdreg $0xFFFFFFFF  }
0x39: {  	_ =	task.clear_ibuf [dreg:s7], $0x2FFFF;
	_ =	strace $0x9FFFFFFF  }
0x3a: {  	(tm) =	ssettm $0x7FFFFFFF  }
0x3b: {  	_ =	shalt  }
tec
execute0_lowered:
.L_overlay_start_1:
0x0: {  	(tag) =	ssettag $0x1  }
0x1: {  	s0 =	stileid.u32;
	s4 =	rddreg [dreg:$0x0]  }
0x2: {  	_ =	strace $0x8000004A;
	s6 =	srdreg.scid;
	s31 =	simm.s32 $0x2  }
0x3: {  	s19 =	simm.s32 $0x0;
	p0 =	por $0x0, $0x0;
	s9 =	simm.s32 $0x800  }
0x4: {  	s21 =	simm.s32 $0x0;
	s22 =	simm.s32 $0x0;
	s20 =	simm.s32 $0x0  }
0x5: {  	s10 =	simm.s32 $0x0;
	s12 =	simm.s32 $0x0;
	s1 =	sshll.u32 s0, $0x7  }
0x6: {  	s13 =	simm.s32 $0x0;
	s14 =	simm.s32 $0x0;
	s3 =	sand.u32 $0x80, s1  }
0x7: {  	s15 =	simm.s32 $0x0;
	s18 =	simm.s32 $0x0;
	s5 =	ssub.s32 $0x100, s3  }
0x8: {  	s6 =	sshll.u32 s6, $0x4;
	s4 =	sadd.s32 $0xA00, s4;
	s7 =	sshrl.u32 s5, $0x7  }
.Ltmp0:
0x9: {  	s5 =	sshrl.u32 s5, $0x8;
	s7 =	sand.u32 $0x1, s7;
	(pc) =	sbr.rel .LBB1_1-.Ltmp0, $4  }
0xa: {  	s6 =	sand.u32 $0x10, s6;
	s1 =	simm.s32 $0x0;
	s7 =	sadd.s32 s5, s7  }
0xb: {  	s8 =	sor.u32 s0, s6;
	s5 =	simm.s32 $0x1;
	s6 =	smul.u32 $0x50, s7  }
0xc: {  	s17 =	smov.u32 s3;
	s7 =	sshrl.u32 s8, $0x1;
	[sflag:s5] =	ssyncpa.u1 $0x0  }
0xd: {  	[sflag:s31] =	ssyncpa.u1 $0x0;
	s16 =	smov.u32 s7;
	s8 =	sor.u32 $0x1, s6  }
.LBB1_4:
0xe: {  	v5 =	vld [tilespmem:s24+$0xFFFFFFD0]  }
0xf: {  	s27 =	sshra.s32 s27, $0x2;
	v58 =	vld [tilespmem:s24+$0xFFFFFFE0]  }
0x10: {  	s31 =	sshll.u32 s10, $0x8;
	p1 =	sgt.s32 s12, $0x1F;
	s28 =	smov.u32 s12;
	v59 =	vld [tilespmem:s24+$0xFFFFFFF0]  }
0x11: {  	s29 =	sshra.s32 s12, $0x1F;
	s30 =	sshll.u32 s13, $0x3;
	s2 =	sshra.s32 s13, $0x1F;
	v60 =	vld [tilespmem:s24+$0x0]  }
0x12: {  	s11 =	smov.u32 s1;
	v61 =	vld [tilespmem:s24+$0x10];
	s26 =	sadd.s32 s27, s26;
	s28 =	simm.s32 @!p1 $0x1F  }
0x13: {  	v62 =	vld [tilespmem:s24+$0x20];
	s29 =	sand.u32 s29, s12;
	s27 =	sand.u32 $0xFFFFF800, s31;
	s30 =	sand.u32 $0xFFFFFC00, s30  }
0x14: {  	v63 =	vld [tilespmem:s24+$0xFFFFFFC0];
	s24 =	smul.u32 $0x21000, s12;
	s28 =	ssub.s32 s28, s29;
	s27 =	sadd.s32 s30, s27  }
0x15: {  	s29 =	sshll.u32 s10, $0x7;
	s30 =	smov.u32 s13;
	s0 =	sadd.s32 $0xFFFFFFE1, s28  }
0x16: {  	s31 =	sand.u32 $0x300, s29;
	s28 =	ssub.s32 $0x20, s28;
	s29 =	sand.u32 $0x80, s29  }
0x17: {  	p1 =	sgt.s32 s0, $0x0;
	s27 =	sor.u32 s31, s27;
	s0 =	sshra.s32 s1, $0x1F  }
0x18: {  	s31 =	sand.u32 s2, s13;
	s2 =	sshra.s32 s10, $0x1F;
	s28 =	simm.s32 @p1 $0x0  }
0x19: {  	p1 =	sgt.s32 s13, $0x80;
	s27 =	sshrl.u32 s27, $0x8;
	s0 =	sand.u32 s0, s1  }
0x1a: {  	s2 =	sand.u32 s2, s10;
	s30 =	simm.s32 @!p1 $0x80;
	p1 =	sgt.s32 s1, $0x7  }
0x1b: {  	s11 =	simm.s32 @!p1 $0x7;
	s30 =	ssub.s32 s30, s31;
	p1 =	sgt.s32 s10, $0x190  }
0x1c: {  	[tilespmem:s25+$0x2040 ss:$0x81] =	vst.msk $0xffff, v4;
	s0 =	ssub.s32 s11, s0;
	s11 =	smov.u32 s10;
	s31 =	sadd.s32 $0xFFFFFF80, s30  }
0x1d: {  	[tilespmem:s25+$0x2850 ss:$0x81] =	vst.msk $0xffff, v3;
	s30 =	ssub.s32 $0x100, s30;
	s11 =	simm.s32 @!p1 $0x190;
	p1 =	sgt.s32 s31, $0x7F  }
0x1e: {  	[tilespmem:s25+$0x3060 ss:$0x81] =	vst.msk $0xffff, v2;
	s31 =	sadd.s32 $0xFFFFFFF9, s0;
	s0 =	ssub.s32 $0x8, s0;
	s30 =	simm.s32 @p1 $0x0  }
0x1f: {  	[tilespmem:s25+$0x0 ss:$0x81] =	vst.msk $0xffff, v1;
	p1 =	sgt.s32 s31, $0x0;
	s31 =	smulhi.u32 $0x7C1F08, s27;
	s2 =	ssub.s32 s11, s2  }
0x20: {  	[tilespmem:s26+$0x3870 ss:$0x81] =	vst.msk $0xffff, v0;
	s25 =	smul.u32 s30, s28;
	s30 =	sand.u32 $0x78, s13;
	s0 =	simm.s32 @p1 $0x0  }
0x21: {  	[tilespmem:s26+$0x810 ss:$0x81] =	vst.msk $0xffff, v5;
	s28 =	smul.u32 $0x210, s31;
	s31 =	sadd.s32 $0xFFFFFE70, s2;
	s2 =	ssub.s32 $0x210, s2  }
0x22: {  	[tilespmem:s26+$0x1020 ss:$0x81] =	vst.msk $0xffff, v58;
	s29 =	sor.u32 s30, s29;
	s0 =	smul.u32 s0, s25;
	p1 =	sgt.s32 s31, $0x7F  }
0x23: {  	[tilespmem:s26+$0x1830 ss:$0x81] =	vst.msk $0xffff, v59;
	s30 =	smul.u32 $0x4200, s1;
	s31 =	rddreg [dreg:$0x1];
	s2 =	simm.s32 @p1 $0x0  }
0x24: {  	[tilespmem:s26+$0x2040 ss:$0x81] =	vst.msk $0xffff, v60;
	s27 =	ssub.s32 s27, s28;
	s0 =	smul.u32 s2, s0;
	s2 =	sadd.s32 s31, s24  }
0x25: {  	[tilespmem:s26+$0x2850 ss:$0x81] =	vst.msk $0xffff, v61;
	s28 =	sshrl.u32 s29, $0x3;
	s29 =	sand.u32 $0x7, s13;
	s2 =	sadd.s32 s30, s2  }
0x26: {  	[tilespmem:s26+$0x3060 ss:$0x81] =	vst.msk $0xffff, v62;
	s31 =	sshll.u32 s29, $0x12;
	s30 =	sshll.u32 s27, $0x5;
	s2 =	sadd.s32 s28, s2  }
0x27: {  	[tilespmem:s26+$0x0 ss:$0x81] =	vst.msk $0xffff, v63;
	s11 =	sor.u32 $0x400, s31;
	s0 =	sand.u32 $0x3FFFFFFF, s0;
	s2 =	sadd.s32 s30, s2  }
0x28: {  	[hbm4b:s2+s11] =	stream.strided.scatter [tilespmem:s23], [sflag:$0x2], s0, s9, s11, $0x20;
	[tilespmem:$0x10100] =	vst v63  }
.LBB1_5:
0x29: {  	p1 =	slt.u32 s18, $0x2;
	s0 =	smov.u32 s22  }
0x2a: {  	s23 =	sadd.s32 $0x80, s14;
	s24 =	smov.u32 s16;
	s25 =	smov.u32 s17  }
0x2b: {  	p0 =	por !p0, !p0;
	p2 =	sgt.s32 @!p1 s22, $0x1F;
	s2 =	sshra.s32 @!p1 s22, $0x1F  }
0x2c: {  	s11 =	sshra.s32 @!p1 s21, $0x1F;
	p3 =	sgt.s32 @!p1 s20, $0x80;
	p2 =	por !p2, p1  }
0x2d: {  	s2 =	sand.u32 @!p1 s2, s22;
	s11 =	sand.u32 @!p1 s11, s21;
	s0 =	simm.s32 @p2 $0x1F  }
0x2e: {  	p3 =	por !p3, p1;
	p2 =	sgt.s32 @!p1 s21, $0x7;
	s0 =	ssub.s32 @!p1 s0, s2  }
0x2f: {  	p2 =	por !p2, p1;
	s2 =	smov.u32 s21;
	s21 =	sadd.s32 @!p1 $0xFFFFFFE1, s0  }
0x30: {  	s2 =	simm.s32 @p2 $0x7;
	s0 =	ssub.s32 @!p1 $0x20, s0;
	p2 =	sgt.s32 @!p1 s21, $0x0  }
0x31: {  	s2 =	ssub.s32 @!p1 s2, s11;
	s21 =	sshra.s32 @!p1 s20, $0x1F;
	p2 =	por !p2, p1  }
0x32: {  	s11 =	sadd.s32 @!p1 $0xFFFFFFF9, s2;
	s2 =	ssub.s32 @!p1 $0x8, s2;
	s0 =	simm.s32 @!p2 $0x0  }
0x33: {  	p2 =	sgt.s32 @!p1 s11, $0x0;
	s11 =	smov.u32 s20;
	s20 =	sand.u32 @!p1 s21, s20  }
0x34: {  	s21 =	sshra.s32 @!p1 s19, $0x1F;
	s11 =	simm.s32 @p3 $0x80;
	p3 =	sgt.s32 @!p1 s19, $0x190  }
0x35: {  	p2 =	por !p2, p1;
	s11 =	ssub.s32 @!p1 s11, s20;
	p3 =	por !p3, p1  }
0x36: {  	s20 =	smov.u32 s19;
	s19 =	sand.u32 @!p1 s21, s19;
	s21 =	sadd.s32 @!p1 $0xFFFFFF80, s11  }
0x37: {  	s2 =	simm.s32 @!p2 $0x0;
	s20 =	simm.s32 @p3 $0x190;
	p2 =	sgt.s32 @!p1 s21, $0x7F  }
0x38: {  	s11 =	ssub.s32 @!p1 $0x100, s11;
	s19 =	ssub.s32 @!p1 s20, s19;
	p2 =	por !p2, p1  }
0x39: {  	s22 =	smov.u32 s12;
	s20 =	sadd.s32 @!p1 $0xFFFFFE70, s19;
	s11 =	simm.s32 @!p2 $0x0  }
0x3a: {  	p2 =	sgt.s32 s23, $0x20F;
	s0 =	smul.u32 @!p1 s11, s0;
	s11 =	simm.s32 $0x1  }
0x3b: {  	s19 =	ssub.s32 @!p1 $0x210, s19;
	p3 =	sgt.s32 @!p1 s20, $0x7F;
	s11 =	simm.s32 @!p2 $0x0  }
0x3c: {  	p3 =	por !p3, p1;
	s0 =	smul.u32 @!p1 s2, s0;
	s2 =	sadd.s32 s11, s15  }
0x3d: {  	s19 =	simm.s32 @!p3 $0x0;
	s11 =	sadd.s32 $0x10, s16;
	p3 =	sgt.s32 s2, $0x7  }
0x3e: {  	s12 =	smov.u32 s16;
	s21 =	smov.u32 s1;
	s24 =	smov.u32 @p3 s11  }
0x3f: {  	s23 =	simm.s32 @p2 $0x0;
	s11 =	sadd.s32 $0x100, s17;
	p2 =	sgt.s32 s24, $0x1F  }
0x40: {  	s1 =	smov.u32 s15;
	s20 =	smov.u32 s13;
	s25 =	smov.u32 @p2 s11  }
0x41: {  	s13 =	smov.u32 s17;
	s24 =	smov.u32 @p2 s7;
	p2 =	sgt.s32 s25, $0xFF  }
0x42: {  	s0 =	smul.u32 @!p1 s19, s0;
	s25 =	smov.u32 @p2 s3;
	p2 =	sne.s32 s18, s8  }
.Ltmp1:
0x43: {  	s2 =	simm.s32 @p3 $0x0;
	s19 =	smov.u32 s10;
	(pc) =	sbr.rel @!p2 .LBB1_6-.Ltmp1, $4  }
0x44: {  	s10 =	smov.u32 s14;
	s0 =	sand.u32 @!p1 $0x3FFFFFFF, s0;
	s11 =	simm.s32 @!p1 $0x2  }
0x45: {  	s14 =	smov.u32 s23;
	s15 =	smov.u32 s2;
	_ =	swait.ge @!p1 [sflag:s11], s0  }
0x46: {  	s0 =	ssub.s32 @!p1 $0x0, s0;
	s16 =	smov.u32 s24;
	[sflag:s11] =	ssyncset.done @!p1 $0x0  }
0x47: {  	s18 =	sadd.s32 $0x1, s18;
	[sflag:s11] =	ssyncadd.s32 @!p1 s0;
	s17 =	smov.u32 s25  }
.LBB1_1:
0x48: {  	p1 =	sge.u32 s18, s6  }
0x49: {  	s23 =	sshrl.u32 @!p1 s15, $0x3  }
0x4a: {  	s24 =	sshll.u32 @!p1 s14, $0x3;
	s23 =	smul.u32 @!p1 $0x1400, s23  }
0x4b: {  	s25 =	sshll.u32 @!p1 s15, $0x7;
	s24 =	sand.u32 @!p1 $0xFFFFFC00, s24  }
0x4c: {  	s23 =	sadd.s32 @!p1 s23, s24;
	s24 =	sand.u32 @!p1 $0x380, s25  }
0x4d: {  	s25 =	sand.u32 @!p1 $0x7F, s14;
	s23 =	sor.u32 @!p1 s24, s23  }
0x4e: {  	s24 =	sor.u32 @!p1 s25, s23  }
0x4f: {  	s25 =	smulhi.u32 @!p1 $0xCCCCCCCD, s24  }
0x50: {  	s23 =	smulhi.u32 @!p1 $0xCCCCCCCD, s23  }
0x51: {  	s31 =	sadd.s32 $0xFFFFFFFF, s18;
	s27 =	smul.u32 @!p1 $0x5000, s17;
	s25 =	sshrl.u32 @!p1 s25, $0x9  }
0x52: {  	s26 =	sxor.u32 @!p1 $0xFFFFFFFF, s18;
	s23 =	sshrl.u32 @!p1 s23, $0x9;
	s25 =	smul.u32 @!p1 $0x280, s25  }
0x53: {  	s28 =	smul.u32 @!p1 $0x280, s16;
	s26 =	sshll.u32 @!p1 s26, $0xE;
	s23 =	sand.u32 @!p1 $0x7, s23  }
0x54: {  	s23 =	smul.u32 @!p1 $0x50, s23;
	s24 =	ssub.s32 @!p1 s24, s25;
	s25 =	sadd.s32 @!p1 s4, s27  }
0x55: {  	s26 =	sand.u32 @!p1 $0x4000, s26;
	s25 =	sadd.s32 @!p1 s28, s25;
	s27 =	sand.u32 @!p1 $0x7, s24  }
0x56: {  	s24 =	sshrl.u32 @!p1 s24, $0x3;
	s23 =	sadd.s32 @!p1 s23, s25;
	s25 =	sshll.u32 @!p1 s27, $0x12  }
0x57: {  	s23 =	sadd.s32 @!p1 s24, s23;
	s24 =	sor.u32 @!p1 $0x80, s25;
	s25 =	simm.s32 @!p1 $0x28000  }
0x58: {  	[tilespmem:s26], [sflag:$0x1] =	stream.strided.gather @!p1 [hbm4b:s23+s24], $0x4000, s25, s24, $0x38;
	[tilespmem:$0x10100] =	vst v63  }
0x59: {  	p1 =	sge.u32 s31, s6  }
.Ltmp2:
0x5a: {  	_ = 	snop;
	(pc) =	sbr.rel @p1 .LBB1_5-.Ltmp2, $1  }
0x5b: {  	_ =	sdelay $0x3  }
0x5c: {  	s23 =	simm.s32 $0x1  }
0x5d: {  	_ =	swait.ge [sflag:s5], $0x4000;
	s23 =	simm.s32 @!p0 $0x0  }
0x5e: {  	[sflag:s5] =	ssyncset.done $0x0;
	s24 =	sshll.u32 s23, $0xE  }
0x5f: {  	[sflag:s5] =	ssyncadd.s32 $0xFFFFC000;
	s24 =	sor.u32 $0x40, s24  }
0x60: {  	s23 =	smul.u32 $0x10200, s23;
	v0 =	vld [tilespmem:s24+$0x30]  }
0x61: {  	v1 =	vld [tilespmem:s24+$0xFFFFFFD0]  }
0x62: {  	s23 =	sshrl.u32 s23, $0x2;
	v5 =	vld [tilespmem:s24+$0xFFFFFFE0]  }
0x63: {  	v6 =	vld [tilespmem:s24+$0xFFFFFFF0];
	s26 =	sor.u32 $0x8000, s23  }
0x64: {  	s31 =	sand.u32 $0x1, s18;
	v4 =	vld [tilespmem:s24+$0x0];
	s25 =	sadd.s32 $0x0, s26  }
0x65: {  	v3 =	vld [tilespmem:s24+$0x10];
	s23 =	smul.u32 $0x10200, s31;
	[tilespmem:s25+$0x3870 ss:$0x81] =	vst.msk $0xffff, v0  }
0x66: {  	v2 =	vld [tilespmem:s24+$0x20];
	[tilespmem:s25+$0x810 ss:$0x81] =	vst.msk $0xffff, v1  }
0x67: {  	s23 =	sshrl.u32 s23, $0x2;
	v1 =	vld [tilespmem:s24+$0xFFFFFFC0];
	[tilespmem:s25+$0x1020 ss:$0x81] =	vst.msk $0xffff, v5;
	s24 =	sadd.s32 $0x80, s24  }
0x68: {  	s27 =	simm.s32 $0x4;
	s28 =	simm.s32 $0x8;
	s23 =	sor.u32 $0x8000, s23;
	[tilespmem:s25+$0x1830 ss:$0x81] =	vst.msk $0xffff, v6;
	v0 =	vld [tilespmem:s24+$0x30]  }
.LBB1_3:
0x69: {  	p1 =	sne.s32 s28, $0x1FC;
	v5 =	vld [tilespmem:s24+$0xFFFFFFD0];
	[tilespmem:s25+$0x2040 ss:$0x81] =	vst.msk $0xffff, v4  }
0x6a: {  	v6 =	vld [tilespmem:s24+$0xFFFFFFE0];
	[tilespmem:s25+$0x2850 ss:$0x81] =	vst.msk $0xffff, v3  }
0x6b: {  	s29 =	sshra.s32 s27, $0x2;
	s27 =	smov.u32 s28;
	v7 =	vld [tilespmem:s24+$0xFFFFFFF0];
	[tilespmem:s25+$0x3060 ss:$0x81] =	vst.msk $0xffff, v2  }
.Ltmp3:
0x6c: {  	v4 =	vld [tilespmem:s24+$0x0];
	[tilespmem:s25+$0x0 ss:$0x81] =	vst.msk $0xffff, v1;
	s25 =	sadd.s32 s29, s26;
	(pc) =	sbr.rel @p1 .LBB1_3-.Ltmp3, $4  }
0x6d: {  	v3 =	vld [tilespmem:s24+$0x10];
	[tilespmem:s25+$0x3870 ss:$0x81] =	vst.msk $0xffff, v0  }
0x6e: {  	[tilespmem:s25+$0x810 ss:$0x81] =	vst.msk $0xffff, v5;
	v2 =	vld [tilespmem:s24+$0x20]  }
0x6f: {  	v1 =	vld [tilespmem:s24+$0xFFFFFFC0];
	[tilespmem:s25+$0x1020 ss:$0x81] =	vst.msk $0xffff, v6;
	s24 =	sadd.s32 $0x80, s24  }
0x70: {  	s28 =	sadd.s32 $0x4, s28;
	v0 =	vld [tilespmem:s24+$0x30];
	[tilespmem:s25+$0x1830 ss:$0x81] =	vst.msk $0xffff, v7  }
.Ltmp4:
0x71: {  	_ = 	snop;
	(pc) =	sbr.rel .LBB1_4-.Ltmp4, $1  }
0x72: {  	_ =	sdelay $0x3  }
.LBB1_6:
0x73: {  	_ =	sfence.sel $0x180000  }
0x74: {  	s0 =	simm.s32 $0x1;
	[bflag:$0x0] =	sbarrier.arrive $0xFFFF  }
0x75: {  	s30 =	simm.s32 $0x2;
	[sflag:s0] =	ssyncpa.u1 $0x1  }
0x76: {  	[sflag:s30] =	ssyncpa.u1 $0x1  }
0x77: {  	_ =	strace $0x9000004A  }
0x78: {  	s31 =	stileid.u32;
	[bflag:$0x2] =	sbarrier.arrive $0xFFFF  }
0x79: {  	p0 =	sne.s32 s31, $0x0;
	s0 =	rddreg [dreg:$0x2]  }
0x7a: {  	s0 =	sadd.s32 @!p0 $0x100000, s0  }
0x7b: {  	[sflag:s0] =	ssyncadd.tile.s32 @!p0 $0x1;
	_ =	shalt  }
.Lfunc_end1:
_tile_overlayer_lowered:
.L_overlay_start_2:
0x7c: {  	(tag) =	ssettag $0x2  }
0x7d: {  	s0 =	rddreg [dreg:$0x0];
	s2 =	stileid.u32  }
0x7e: {  	s1 =	rddreg [dreg:$0x1];
	p0 =	sne.s32 s2, $0x0  }
0x7f: {  	s3 =	rddreg [dreg:$0x2];
	[bflag:$0x3] =	sbarrier.arrive $0xFFFF;
	s2 =	simm.s32 @!p0 $0x1C01  }
0x80: {  	[timem:s3], [sflag:s2] =	dma.local @!p0 [hbm:s0], s1  }
0x81: {  	s0 =	simm.s32 @!p0 $0x1  }
0x82: {  	_ =	swait.ge @!p0 [sflag:s0], s1  }
0x83: {  	s1 =	ssub.s32 @!p0 $0x0, s1;
	[sflag:s0] =	ssyncset.done @!p0 $0x0  }
0x84: {  	[sflag:s0] =	ssyncadd.s32 @!p0 s1  }
0x85: {  	[bflag:$0x3] =	sbarrier.arrive $0xFFFF  }
0x86: {  	_ =	shalt  }

</sc_bundles>
